<compile_context>
chip_gen: v7x
topology: tpu7x:2x2x1
jax: 0.10.2.dev20260603
libtpu: 0.0.44.dev20260713+nightly
codegen_flags: <defaults>
</compile_context>

<pallas_src>
import functools

import jax
import jax.numpy as jnp
from jax import lax
from jax.experimental import pallas as pl
from jax.experimental.pallas import tpu as pltpu
from jax.experimental.pallas import tpu_sc as plsc

_B = 1024
_FDIM = 128
_P = 100000
_Q = 5000
_TEMPERATURE = -0.01
_OIM_SCALAR = 30.0
_LOG2E = 1.4426950408889634
_LN2 = 0.6931471805599453

_NBLK = 4096
_NL = (_P + _NBLK - 1) // _NBLK
_NC = (_Q + _NBLK - 1) // _NBLK
_NT = _NL + _NC
_NEG = -1e30

_RELW = 128


def _make_sc_gather():
    info = plsc.get_sparse_core_info()
    nc, ns = info.num_cores, info.num_subcores
    nw = nc * ns
    b_per_w = _B // nw

    @functools.partial(
        pl.kernel,
        mesh=plsc.VectorSubcoreMesh(core_axis_name="c", subcore_axis_name="s"),
        out_type=[
            jax.ShapeDtypeStruct((_B, _FDIM), jnp.float32),
            jax.ShapeDtypeStruct((_B, _RELW), jnp.float32),
        ],
        scratch_types=[
            pltpu.VMEM((b_per_w,), jnp.int32),
            pltpu.VMEM((b_per_w,), jnp.int32),
            pltpu.VMEM((b_per_w, _FDIM), jnp.float32),
            pltpu.VMEM((b_per_w, _RELW), jnp.float32),
            pltpu.SemaphoreType.DMA,
            pltpu.SemaphoreType.DMA,
        ],
    )
    def sc_gather(lut_hbm, rel2d_hbm, sl_hbm, ri_hbm, g_out, r_out,
                  idx_v, ridx_v, rows_v, rel_v, sem0, sem1):
        wid = lax.axis_index("s") * nc + lax.axis_index("c")
        base = wid * b_per_w
        pltpu.sync_copy(sl_hbm.at[pl.ds(base, b_per_w)], idx_v)
        pltpu.sync_copy(ri_hbm.at[pl.ds(base, b_per_w)], ridx_v)
        cp0 = pltpu.async_copy(lut_hbm.at[idx_v], rows_v, sem0)
        cp1 = pltpu.async_copy(rel2d_hbm.at[ridx_v], rel_v, sem1)
        cp0.wait()
        cp1.wait()
        pltpu.sync_copy(rows_v, g_out.at[pl.ds(base, b_per_w)])
        pltpu.sync_copy(rel_v, r_out.at[pl.ds(base, b_per_w)])

    return sc_gather


def _oim_kernel(x_ref, lut_ref, cq_ref, rel_ref, lab_ref, mod_ref,
                g_ref, r16_ref, out_ref, m_ref, s_ref):
    n = pl.program_id(0)

    @pl.when(n == 0)
    def _init():
        m_ref[:, :] = jnp.full((_B, 1), _NEG, jnp.float32)
        s_ref[:, :] = jnp.zeros((_B, 1), jnp.float32)

    def process(blk_ref, n_valid):
        scale = jnp.exp(_TEMPERATURE * rel_ref[0, :, :]) * (_OIM_SCALAR * _LOG2E)
        blk = (blk_ref[:, :] * scale).astype(jnp.bfloat16)
        half = _B // 4
        for lo in (0, half, 2 * half, 3 * half):
            logits = lax.dot_general(
                x_ref[lo:lo + half, :], blk,
                dimension_numbers=(((1,), (1,)), ((), ())),
                preferred_element_type=jnp.float32,
            ).astype(jnp.bfloat16)
            if n_valid is not None:
                local_col = lax.broadcasted_iota(jnp.int32, (1, _NBLK), 1)
                logits = jnp.where(local_col < n_valid, logits, _NEG)
            t = logits
            while t.shape[1] > 128:
                w = t.shape[1] // 2
                t = jnp.maximum(t[:, :w], t[:, w:])
            mx = jnp.max(t.astype(jnp.float32), axis=1, keepdims=True)
            m_old = m_ref[lo:lo + half, :]
            m_new = jnp.maximum(m_old, mx)
            mb = m_new.astype(jnp.bfloat16)
            w = _NBLK // 2
            e = (jnp.exp2(logits[:, :w] - mb) + jnp.exp2(logits[:, w:] - mb))
            while e.shape[1] > 128:
                w = e.shape[1] // 2
                e = e[:, :w] + e[:, w:]
            s_part = jnp.sum(e.astype(jnp.float32), axis=1, keepdims=True)
            s_ref[lo:lo + half, :] = (s_ref[lo:lo + half, :]
                                      * jnp.exp2(m_old - m_new) + s_part)
            m_ref[lo:lo + half, :] = m_new

    @pl.when(n < _NL - 1)
    def _lut_step():
        process(lut_ref, None)

    @pl.when(n == _NL - 1)
    def _lut_last():
        process(lut_ref, _P - (_NL - 1) * _NBLK)

    @pl.when((n >= _NL) & (n < _NT - 1))
    def _cq_step():
        process(cq_ref, None)

    @pl.when(n == _NT - 1)
    def _cq_last():
        process(cq_ref, _Q - (_NC - 1) * _NBLK)

    @pl.when(n == _NT - 1)
    def _finish():
        lab = lab_ref[:, :] - 1
        u = jnp.sum(x_ref[:, :].astype(jnp.float32) * g_ref[:, :],
                    axis=1, keepdims=True)
        lane = lax.broadcasted_iota(jnp.int32, (1, _RELW), 1)
        relv = jnp.sum(jnp.where(lane == mod_ref[:, :], r16_ref[:, :], 0.0),
                       axis=1, keepdims=True)
        t2 = u * (jnp.exp(_TEMPERATURE * relv) * (_OIM_SCALAR * _LOG2E))
        lse2 = m_ref[:, :] + jnp.log2(s_ref[:, :])
        nll = (lse2 - t2) * _LN2
        mask = ((lab >= 0) & (lab != 5554)).astype(jnp.float32)
        num = jnp.sum(nll * mask, keepdims=True)
        den = jnp.sum(mask, keepdims=True)
        out_ref[:, :] = num / jnp.maximum(den, 1.0)


def kernel(inputs, roi_label, roi_ious, lut, cq, reliability):
    del roi_ious
    x = inputs.reshape(_B, _FDIM).astype(jnp.bfloat16)
    lab2d = roi_label.reshape(_B, 1).astype(jnp.int32)
    lab_flat = roi_label.reshape(_B).astype(jnp.int32)
    safe_lab = jnp.maximum(lab_flat - 1, 0)
    rel_row = safe_lab // _RELW
    rel_mod = (safe_lab % _RELW).reshape(_B, 1)
    rel2d = jnp.pad(reliability[:_P], (0, -_P % _RELW)).reshape(-1, _RELW)

    g_rows, r16 = _make_sc_gather()(lut, rel2d, safe_lab, rel_row)

    rel_l = jnp.pad(reliability[:_P], (0, _NL * _NBLK - _P)).reshape(_NL, _NBLK, 1)
    rel_c = jnp.pad(reliability[_P:], (0, _NC * _NBLK - _Q)).reshape(_NC, _NBLK, 1)
    rel_pad = jnp.concatenate([rel_l, rel_c], axis=0)

    out = pl.pallas_call(
        _oim_kernel,
        grid=(_NT,),
        in_specs=[
            pl.BlockSpec((_B, _FDIM), lambda n: (0, 0)),
            pl.BlockSpec((_NBLK, _FDIM), lambda n: (jnp.minimum(n, _NL - 1), 0)),
            pl.BlockSpec((_NBLK, _FDIM), lambda n: (jnp.maximum(n - _NL, 0), 0)),
            pl.BlockSpec((1, _NBLK, 1), lambda n: (n, 0, 0)),
            pl.BlockSpec((_B, 1), lambda n: (0, 0)),
            pl.BlockSpec((_B, 1), lambda n: (0, 0)),
            pl.BlockSpec((_B, _FDIM), lambda n: (0, 0)),
            pl.BlockSpec((_B, _RELW), lambda n: (0, 0)),
        ],
        out_specs=pl.BlockSpec((1, 1), lambda n: (0, 0)),
        out_shape=jax.ShapeDtypeStruct((1, 1), jnp.float32),
        scratch_shapes=[
            pltpu.VMEM((_B, 1), jnp.float32),
            pltpu.VMEM((_B, 1), jnp.float32),
        ],
        compiler_params=pltpu.CompilerParams(
            dimension_semantics=("arbitrary",),
        ),
    )(x, lut, cq, rel_pad, lab2d, rel_mod, g_rows, r16)
    return out[0, 0]

# --- scband reference (transcript-rebuilt; emitter-appended) ---
"""Pipeline reference for scband-oimloss-13116830122668 (READ-ONLY COPY).

The authoritative reference and input builder live on the scoring server;
editing this copy changes nothing except your own understanding.
"""

import jax, jax.numpy as jnp
import numpy as np

B = 1024
FDIM = 128
P = 100000
Q = 5000
TEMPERATURE = -0.01
OIM_SCALAR = 30.0

def setup_inputs(seed: int = 0) -> dict:
    key = jax.random.key(seed)
    k1, k2, k3, k4, k5 = jax.random.split(key, 5)
    inputs = jax.random.normal(k1, (B, FDIM), dtype=jnp.float32)
    roi_label = jax.random.randint(k2, (1, B), 0, P)
    roi_ious = jax.random.uniform(k3, (1, B), dtype=jnp.float32)
    # buffers: lut/cq materialized as random (populated memory bank); reliability zeros as in register_buffer
    lut = jax.random.normal(k4, (P, FDIM), dtype=jnp.float32)
    cq = jax.random.normal(k5, (Q, FDIM), dtype=jnp.float32)
    reliability = jnp.zeros((P + Q,), dtype=jnp.float32)
    return {"inputs": inputs, "roi_label": roi_label, "roi_ious": roi_ious, "lut": lut, "cq": cq, "reliability": reliability}

def reference(inputs, roi_label, roi_ious, lut, cq, reliability):
    # targets = torch.cat(roi_label); roi_label is a [1, B] stack of per-roi label vectors
    targets = roi_label.reshape(-1)
    ious = roi_ious.reshape(-1)
    label = targets - 1
    inds = label >= 0
    ious = jnp.where(inds, ious, 0.0)
    safe_label = jnp.where(inds, label, 0)
    x = inputs.reshape(-1, FDIM)
    # OIM.forward
    outputs_labeled = x @ lut.T
    outputs_unlabeled = x @ cq.T
    projected = jnp.concatenate([outputs_labeled, outputs_unlabeled], axis=1) * jnp.exp(TEMPERATURE * reliability)
    projected = projected * OIM_SCALAR
    # F.cross_entropy with ignore_index=5554 (mean over non-ignored)
    logp = jax.nn.log_softmax(projected, axis=1)
    nll = -jnp.take_along_axis(logp, safe_label[:, None], axis=1)[:, 0]
    mask = (inds & (label != 5554)).astype(jnp.float32)
    loss = jnp.sum(nll * mask) / jnp.maximum(jnp.sum(mask), 1.0)
    return loss

if __name__ == "__main__":
    import jax
    _d = setup_inputs()
    print(jax.jit(kernel)(*tuple(_d.values())))

</pallas_src>

<mosaic_0001>
#map = affine_map<(d0, d1) -> (0, 0)>
#map1 = affine_map<(d0, d1) -> (0)>
module attributes {stable_mosaic.version = 14 : i64} {
  func.func @sc_gather(%arg0: i32, %arg1: i32, %arg2: memref<100000x128xf32, #tpu.memory_space<hbm>>, %arg3: memref<782x128xf32, #tpu.memory_space<hbm>>, %arg4: memref<1024xi32, #tpu.memory_space<hbm>>, %arg5: memref<1024xi32, #tpu.memory_space<hbm>>, %arg6: memref<1024x128xf32, #tpu.memory_space<hbm>>, %arg7: memref<1024x128xf32, #tpu.memory_space<hbm>>, %arg8: memref<32xi32, #tpu.memory_space<vmem>>, %arg9: memref<32xi32, #tpu.memory_space<vmem>>, %arg10: memref<32x128xf32, #tpu.memory_space<vmem>>, %arg11: memref<32x128xf32, #tpu.memory_space<vmem>>, %arg12: memref<!tpu.dma_semaphore, #tpu.memory_space<semaphore_mem>>, %arg13: memref<!tpu.dma_semaphore, #tpu.memory_space<semaphore_mem>>) attributes {dimension_semantics = [#tpu.dimension_semantics<core_parallel>, #tpu.dimension_semantics<subcore_parallel>], iteration_bounds = array<i64: 2, 16>, scalar_prefetch = 0 : i64, scratch_operands = 6 : i64, tpu.core_type = #tpu.core_type<sc_vector_subcore>, window_params = [{transform_indices = #map}, {transform_indices = #map}, {transform_indices = #map1}, {transform_indices = #map1}, {transform_indices = #map}, {transform_indices = #map}]} {
    %mul3A = arith.constant 2 : i32
    %mul3A_0 = arith.muli %arg1, %mul3A : i32
    %add3A = arith.addi %mul3A_0, %arg0 : i32
    %mul3A_1 = arith.constant 32 : i32
    %mul3A_2 = arith.muli %add3A, %mul3A_1 : i32
    "tpu.region"() ({
      %run_scoped3A = tpu.sem_alloc : memref<!tpu.dma_semaphore, #tpu.memory_space<semaphore_mem>>
      %dma_start3A_13 = tpu.memref_slice %arg4[%mul3A_2] : memref<1024xi32, #tpu.memory_space<hbm>> -> memref<32xi32, #tpu.memory_space<hbm>>
      %dma_start3A_14 = tpu.memref_slice %arg4[%mul3A_2] : memref<1024xi32, #tpu.memory_space<hbm>> -> memref<32xi32, #tpu.memory_space<hbm>>
      tpu.enqueue_dma source(%dma_start3A_14 : memref<32xi32, #tpu.memory_space<hbm>>) target(%arg8 : memref<32xi32, #tpu.memory_space<vmem>>) target_semaphore(%run_scoped3A : memref<!tpu.dma_semaphore, #tpu.memory_space<semaphore_mem>>)
      %dma_wait3A_15 = tpu.memref_slice %arg4[%mul3A_2] : memref<1024xi32, #tpu.memory_space<hbm>> -> memref<32xi32, #tpu.memory_space<hbm>>
      %dma_wait3A_16 = tpu.memref_slice %arg4[%mul3A_2] : memref<1024xi32, #tpu.memory_space<hbm>> -> memref<32xi32, #tpu.memory_space<hbm>>
      tpu.wait_dma2 semaphore(%run_scoped3A : memref<!tpu.dma_semaphore, #tpu.memory_space<semaphore_mem>>) src(%dma_wait3A_16 : memref<32xi32, #tpu.memory_space<hbm>>) dst(%arg8 : memref<32xi32, #tpu.memory_space<vmem>>)
      tpu.yield
    }) : () -> ()
    "tpu.region"() ({
      %run_scoped3A = tpu.sem_alloc : memref<!tpu.dma_semaphore, #tpu.memory_space<semaphore_mem>>
      %dma_start3A_13 = tpu.memref_slice %arg5[%mul3A_2] : memref<1024xi32, #tpu.memory_space<hbm>> -> memref<32xi32, #tpu.memory_space<hbm>>
      %dma_start3A_14 = tpu.memref_slice %arg5[%mul3A_2] : memref<1024xi32, #tpu.memory_space<hbm>> -> memref<32xi32, #tpu.memory_space<hbm>>
      tpu.enqueue_dma source(%dma_start3A_14 : memref<32xi32, #tpu.memory_space<hbm>>) target(%arg9 : memref<32xi32, #tpu.memory_space<vmem>>) target_semaphore(%run_scoped3A : memref<!tpu.dma_semaphore, #tpu.memory_space<semaphore_mem>>)
      %dma_wait3A_15 = tpu.memref_slice %arg5[%mul3A_2] : memref<1024xi32, #tpu.memory_space<hbm>> -> memref<32xi32, #tpu.memory_space<hbm>>
      %dma_wait3A_16 = tpu.memref_slice %arg5[%mul3A_2] : memref<1024xi32, #tpu.memory_space<hbm>> -> memref<32xi32, #tpu.memory_space<hbm>>
      tpu.wait_dma2 semaphore(%run_scoped3A : memref<!tpu.dma_semaphore, #tpu.memory_space<semaphore_mem>>) src(%dma_wait3A_16 : memref<32xi32, #tpu.memory_space<hbm>>) dst(%arg9 : memref<32xi32, #tpu.memory_space<vmem>>)
      tpu.yield
    }) : () -> ()
    %dma_start3A = arith.constant 0 : i32
    %dma_start3A_3 = arith.constant 0 : i32
    %dma_start3A_4 = tpu.memref_slice %arg2[%dma_start3A, %dma_start3A_3] : memref<100000x128xf32, #tpu.memory_space<hbm>> -> memref<100000x128xf32, #tpu.memory_space<hbm>>
    tpu.enqueue_indirect_dma source(%dma_start3A_4 : memref<100000x128xf32, #tpu.memory_space<hbm>>) target(%arg10 : memref<32x128xf32, #tpu.memory_space<vmem>>) offsets(%arg8 : memref<32xi32, #tpu.memory_space<vmem>>) semaphore(%arg12 : memref<!tpu.dma_semaphore, #tpu.memory_space<semaphore_mem>>)
    %dma_start3A_5 = arith.constant 0 : i32
    %dma_start3A_6 = arith.constant 0 : i32
    %dma_start3A_7 = tpu.memref_slice %arg3[%dma_start3A_5, %dma_start3A_6] : memref<782x128xf32, #tpu.memory_space<hbm>> -> memref<782x128xf32, #tpu.memory_space<hbm>>
    tpu.enqueue_indirect_dma source(%dma_start3A_7 : memref<782x128xf32, #tpu.memory_space<hbm>>) target(%arg11 : memref<32x128xf32, #tpu.memory_space<vmem>>) offsets(%arg9 : memref<32xi32, #tpu.memory_space<vmem>>) semaphore(%arg13 : memref<!tpu.dma_semaphore, #tpu.memory_space<semaphore_mem>>)
    %dma_wait3A = arith.constant 0 : i32
    %dma_wait3A_8 = arith.constant 0 : i32
    %dma_wait3A_9 = tpu.memref_slice %arg2[%dma_wait3A, %dma_wait3A_8] : memref<100000x128xf32, #tpu.memory_space<hbm>> -> memref<100000x128xf32, #tpu.memory_space<hbm>>
    tpu.wait_indirect_dma semaphore(%arg12 : memref<!tpu.dma_semaphore, #tpu.memory_space<semaphore_mem>>) src(%dma_wait3A_9 : memref<100000x128xf32, #tpu.memory_space<hbm>>) dst(%arg10 : memref<32x128xf32, #tpu.memory_space<vmem>>)
    %dma_wait3A_10 = arith.constant 0 : i32
    %dma_wait3A_11 = arith.constant 0 : i32
    %dma_wait3A_12 = tpu.memref_slice %arg3[%dma_wait3A_10, %dma_wait3A_11] : memref<782x128xf32, #tpu.memory_space<hbm>> -> memref<782x128xf32, #tpu.memory_space<hbm>>
    tpu.wait_indirect_dma semaphore(%arg13 : memref<!tpu.dma_semaphore, #tpu.memory_space<semaphore_mem>>) src(%dma_wait3A_12 : memref<782x128xf32, #tpu.memory_space<hbm>>) dst(%arg11 : memref<32x128xf32, #tpu.memory_space<vmem>>)
    "tpu.region"() ({
      %run_scoped3A = tpu.sem_alloc : memref<!tpu.dma_semaphore, #tpu.memory_space<semaphore_mem>>
      %dma_start3A_13 = arith.constant 0 : i32
      %dma_start3A_14 = tpu.memref_slice %arg6[%mul3A_2, %dma_start3A_13] : memref<1024x128xf32, #tpu.memory_space<hbm>> -> memref<32x128xf32, #tpu.memory_space<hbm>>
      %dma_start3A_15 = arith.constant 0 : i32
      %dma_start3A_16 = tpu.memref_slice %arg6[%mul3A_2, %dma_start3A_15] : memref<1024x128xf32, #tpu.memory_space<hbm>> -> memref<32x128xf32, #tpu.memory_space<hbm>>
      tpu.enqueue_dma source(%arg10 : memref<32x128xf32, #tpu.memory_space<vmem>>) target(%dma_start3A_16 : memref<32x128xf32, #tpu.memory_space<hbm>>) target_semaphore(%run_scoped3A : memref<!tpu.dma_semaphore, #tpu.memory_space<semaphore_mem>>)
      %dma_wait3A_17 = arith.constant 0 : i32
      %dma_wait3A_18 = tpu.memref_slice %arg6[%mul3A_2, %dma_wait3A_17] : memref<1024x128xf32, #tpu.memory_space<hbm>> -> memref<32x128xf32, #tpu.memory_space<hbm>>
      %dma_wait3A_19 = arith.constant 0 : i32
      %dma_wait3A_20 = tpu.memref_slice %arg6[%mul3A_2, %dma_wait3A_19] : memref<1024x128xf32, #tpu.memory_space<hbm>> -> memref<32x128xf32, #tpu.memory_space<hbm>>
      tpu.wait_dma2 semaphore(%run_scoped3A : memref<!tpu.dma_semaphore, #tpu.memory_space<semaphore_mem>>) src(%arg10 : memref<32x128xf32, #tpu.memory_space<vmem>>) dst(%dma_wait3A_20 : memref<32x128xf32, #tpu.memory_space<hbm>>)
      tpu.yield
    }) : () -> ()
    "tpu.region"() ({
      %run_scoped3A = tpu.sem_alloc : memref<!tpu.dma_semaphore, #tpu.memory_space<semaphore_mem>>
      %dma_start3A_13 = arith.constant 0 : i32
      %dma_start3A_14 = tpu.memref_slice %arg7[%mul3A_2, %dma_start3A_13] : memref<1024x128xf32, #tpu.memory_space<hbm>> -> memref<32x128xf32, #tpu.memory_space<hbm>>
      %dma_start3A_15 = arith.constant 0 : i32
      %dma_start3A_16 = tpu.memref_slice %arg7[%mul3A_2, %dma_start3A_15] : memref<1024x128xf32, #tpu.memory_space<hbm>> -> memref<32x128xf32, #tpu.memory_space<hbm>>
      tpu.enqueue_dma source(%arg11 : memref<32x128xf32, #tpu.memory_space<vmem>>) target(%dma_start3A_16 : memref<32x128xf32, #tpu.memory_space<hbm>>) target_semaphore(%run_scoped3A : memref<!tpu.dma_semaphore, #tpu.memory_space<semaphore_mem>>)
      %dma_wait3A_17 = arith.constant 0 : i32
      %dma_wait3A_18 = tpu.memref_slice %arg7[%mul3A_2, %dma_wait3A_17] : memref<1024x128xf32, #tpu.memory_space<hbm>> -> memref<32x128xf32, #tpu.memory_space<hbm>>
      %dma_wait3A_19 = arith.constant 0 : i32
      %dma_wait3A_20 = tpu.memref_slice %arg7[%mul3A_2, %dma_wait3A_19] : memref<1024x128xf32, #tpu.memory_space<hbm>> -> memref<32x128xf32, #tpu.memory_space<hbm>>
      tpu.wait_dma2 semaphore(%run_scoped3A : memref<!tpu.dma_semaphore, #tpu.memory_space<semaphore_mem>>) src(%arg11 : memref<32x128xf32, #tpu.memory_space<vmem>>) dst(%dma_wait3A_20 : memref<32x128xf32, #tpu.memory_space<hbm>>)
      tpu.yield
    }) : () -> ()
    return
  }
}

module attributes {stable_mosaic.version = 14 : i64} {
  func.func @_oim_kernel(%arg0: i32, %arg1: memref<1024x128xbf16, #tpu.memory_space<vmem>>, %arg2: memref<4096x128xf32, #tpu.memory_space<vmem>>, %arg3: memref<4096x128xf32, #tpu.memory_space<vmem>>, %arg4: memref<1x4096x1xf32, #tpu.memory_space<vmem>>, %arg5: memref<1024x1xi32, #tpu.memory_space<vmem>>, %arg6: memref<1024x1xi32, #tpu.memory_space<vmem>>, %arg7: memref<1024x128xf32, #tpu.memory_space<vmem>>, %arg8: memref<1024x128xf32, #tpu.memory_space<vmem>>, %arg9: memref<1x1xf32, #tpu.memory_space<vmem>>, %arg10: memref<1024x1xf32, #tpu.memory_space<vmem>>, %arg11: memref<1024x1xf32, #tpu.memory_space<vmem>>) attributes {dimension_semantics = [#tpu.dimension_semantics<arbitrary>], iteration_bounds = array<i64: 27>, scalar_prefetch = 0 : i64, scratch_operands = 2 : i64, tpu.core_type = #tpu.core_type<tc>, window_params = [{pipeline_mode = #tpu.pipeline_mode<synchronous>, transform_indices = @transform_0, window_bounds = array<i64: 1024, 128>}, {transform_indices = @transform_1, window_bounds = array<i64: 4096, 128>}, {transform_indices = @transform_2, window_bounds = array<i64: 4096, 128>}, {transform_indices = @transform_3, window_bounds = array<i64: 1, 4096, 1>}, {pipeline_mode = #tpu.pipeline_mode<synchronous>, transform_indices = @transform_4, window_bounds = array<i64: 1024, 1>}, {pipeline_mode = #tpu.pipeline_mode<synchronous>, transform_indices = @transform_5, window_bounds = array<i64: 1024, 1>}, {pipeline_mode = #tpu.pipeline_mode<synchronous>, transform_indices = @transform_6, window_bounds = array<i64: 1024, 128>}, {pipeline_mode = #tpu.pipeline_mode<synchronous>, transform_indices = @transform_7, window_bounds = array<i64: 1024, 128>}, {pipeline_mode = #tpu.pipeline_mode<synchronous>, transform_indices = @transform_8, window_bounds = array<i64: 1, 1>}]} {
    %eq3A = arith.constant 0 : i32
    %eq3A_0 = arith.cmpi eq, %arg0, %eq3A : i32
    %convert_element_type3A = arith.extui %eq3A_0 : i1 to i32
    %cond3A = arith.constant 0 : i32
    %cond3A_1 = arith.cmpi ne, %convert_element_type3A, %cond3A : i32
    scf.if %cond3A_1 {
      %broadcast_in_dim3A = arith.constant -1.000000e+30 : f32
      %broadcast_in_dim3A_27 = vector.broadcast %broadcast_in_dim3A : f32 to vector<1024x1xf32>
      %swap3A = arith.constant 0 : index
      %swap3A_28 = arith.constant 0 : index
      %swap3A_29 = vector.load %arg10[%swap3A, %swap3A_28] : memref<1024x1xf32, #tpu.memory_space<vmem>>, vector<1024x1xf32>
      tpu.vector_store %arg10[%swap3A, %swap3A_28], %broadcast_in_dim3A_27 {strides = array<i32>} : memref<1024x1xf32, #tpu.memory_space<vmem>>, vector<1024x1xf32>,
      %broadcast_in_dim3A_30 = arith.constant 0.000000e+00 : f32
      %broadcast_in_dim3A_31 = vector.broadcast %broadcast_in_dim3A_30 : f32 to vector<1024x1xf32>
      %swap3A_32 = arith.constant 0 : index
      %swap3A_33 = arith.constant 0 : index
      %swap3A_34 = vector.load %arg11[%swap3A_32, %swap3A_33] : memref<1024x1xf32, #tpu.memory_space<vmem>>, vector<1024x1xf32>
      tpu.vector_store %arg11[%swap3A_32, %swap3A_33], %broadcast_in_dim3A_31 {strides = array<i32>} : memref<1024x1xf32, #tpu.memory_space<vmem>>, vector<1024x1xf32>,
    } else {
    }
    %lt3A = arith.constant 24 : i32
    %lt3A_2 = arith.cmpi slt, %arg0, %lt3A : i32
    %convert_element_type3A_3 = arith.extui %lt3A_2 : i1 to i32
    %cond3A_4 = arith.constant 0 : i32
    %cond3A_5 = arith.cmpi ne, %convert_element_type3A_3, %cond3A_4 : i32
    scf.if %cond3A_5 {
      %get3A = arith.constant 0 : index
      %get3A_27 = arith.constant 0 : index
      %get3A_28 = arith.constant 0 : index
      %get3A_29 = vector.load %arg4[%get3A, %get3A_27, %get3A_28] : memref<1x4096x1xf32, #tpu.memory_space<vmem>>, vector<1x4096x1xf32>
      %get3A_30 = vector.shape_cast %get3A_29 : vector<1x4096x1xf32> to vector<4096x1xf32>
      %mul3A = arith.constant -0.00999999977 : f32
      %mul3A_31 = vector.broadcast %mul3A : f32 to vector<4096x1xf32>
      %mul3A_32 = arith.mulf %mul3A_31, %get3A_30 : vector<4096x1xf32>
      %exp3A = math.exp %mul3A_32 : vector<4096x1xf32>
      %mul3A_33 = arith.constant 43.2808495 : f32
      %mul3A_34 = vector.broadcast %mul3A_33 : f32 to vector<4096x1xf32>
      %mul3A_35 = arith.mulf %exp3A, %mul3A_34 : vector<4096x1xf32>
      %get3A_36 = arith.constant 0 : index
      %get3A_37 = arith.constant 0 : index
      %get3A_38 = vector.load %arg2[%get3A_36, %get3A_37] : memref<4096x128xf32, #tpu.memory_space<vmem>>, vector<4096x128xf32>
      %mul3A_39 = vector.broadcast %mul3A_35 : vector<4096x1xf32> to vector<4096x128xf32>
      %mul3A_40 = arith.mulf %get3A_38, %mul3A_39 : vector<4096x128xf32>
      %convert_element_type3A_41 = arith.truncf %mul3A_40 : vector<4096x128xf32> to vector<4096x128xbf16>
      %get3A_42 = arith.constant 0 : index
      %get3A_43 = arith.constant 0 : index
      %get3A_44 = vector.load %arg1[%get3A_42, %get3A_43] : memref<1024x128xbf16, #tpu.memory_space<vmem>>, vector<256x128xbf16>
      %dot_general3A = arith.constant dense<0.000000e+00> : vector<256x4096xf32>
      %dot_general3A_45 = tpu.matmul %get3A_44, %convert_element_type3A_41, %dot_general3A {dimension_numbers = #tpu.dot_dimension_numbers<[1], [1], [0], [0], [0, 0, 1, 0], [], []>, transpose_lhs_hint = false} : vector<256x128xbf16>, vector<4096x128xbf16>, vector<256x4096xf32> -> vector<256x4096xf32>
      %convert_element_type3A_46 = arith.truncf %dot_general3A_45 : vector<256x4096xf32> to vector<256x4096xbf16>
      %slice3A = vector.extract_strided_slice %convert_element_type3A_46 {offsets = [0, 0], sizes = [256, 2048], strides = [1, 1]} : vector<256x4096xbf16> to vector<256x2048xbf16>
      %slice3A_47 = vector.extract_strided_slice %convert_element_type3A_46 {offsets = [0, 2048], sizes = [256, 2048], strides = [1, 1]} : vector<256x4096xbf16> to vector<256x2048xbf16>
      %max3A = arith.maximumf %slice3A, %slice3A_47 : vector<256x2048xbf16>
      %slice3A_48 = vector.extract_strided_slice %max3A {offsets = [0, 0], sizes = [256, 1024], strides = [1, 1]} : vector<256x2048xbf16> to vector<256x1024xbf16>
      %slice3A_49 = vector.extract_strided_slice %max3A {offsets = [0, 1024], sizes = [256, 1024], strides = [1, 1]} : vector<256x2048xbf16> to vector<256x1024xbf16>
      %max3A_50 = arith.maximumf %slice3A_48, %slice3A_49 : vector<256x1024xbf16>
      %slice3A_51 = vector.extract_strided_slice %max3A_50 {offsets = [0, 0], sizes = [256, 512], strides = [1, 1]} : vector<256x1024xbf16> to vector<256x512xbf16>
      %slice3A_52 = vector.extract_strided_slice %max3A_50 {offsets = [0, 512], sizes = [256, 512], strides = [1, 1]} : vector<256x1024xbf16> to vector<256x512xbf16>
      %max3A_53 = arith.maximumf %slice3A_51, %slice3A_52 : vector<256x512xbf16>
      %slice3A_54 = vector.extract_strided_slice %max3A_53 {offsets = [0, 0], sizes = [256, 256], strides = [1, 1]} : vector<256x512xbf16> to vector<256x256xbf16>
      %slice3A_55 = vector.extract_strided_slice %max3A_53 {offsets = [0, 256], sizes = [256, 256], strides = [1, 1]} : vector<256x512xbf16> to vector<256x256xbf16>
      %max3A_56 = arith.maximumf %slice3A_54, %slice3A_55 : vector<256x256xbf16>
      %slice3A_57 = vector.extract_strided_slice %max3A_56 {offsets = [0, 0], sizes = [256, 128], strides = [1, 1]} : vector<256x256xbf16> to vector<256x128xbf16>
      %slice3A_58 = vector.extract_strided_slice %max3A_56 {offsets = [0, 128], sizes = [256, 128], strides = [1, 1]} : vector<256x256xbf16> to vector<256x128xbf16>
      %max3A_59 = arith.maximumf %slice3A_57, %slice3A_58 : vector<256x128xbf16>
      %convert_element_type3A_60 = arith.extf %max3A_59 : vector<256x128xbf16> to vector<256x128xf32>
      %reduce_max3A = arith.constant dense<0xFF800000> : vector<256xf32>
      %reduce_max3A_61 = vector.multi_reduction <maximumf>, %convert_element_type3A_60, %reduce_max3A [1] : vector<256x128xf32> to vector<256xf32>
      %broadcast_in_dim3A = vector.shape_cast %reduce_max3A_61 : vector<256xf32> to vector<256x1xf32>
      %get3A_62 = arith.constant 0 : index
      %get3A_63 = arith.constant 0 : index
      %get3A_64 = vector.load %arg10[%get3A_62, %get3A_63] : memref<1024x1xf32, #tpu.memory_space<vmem>>, vector<256x1xf32>
      %max3A_65 = arith.maximumf %get3A_64, %broadcast_in_dim3A : vector<256x1xf32>
      %convert_element_type3A_66 = arith.truncf %max3A_65 : vector<256x1xf32> to vector<256x1xbf16>
      %slice3A_67 = vector.extract_strided_slice %convert_element_type3A_46 {offsets = [0, 0], sizes = [256, 2048], strides = [1, 1]} : vector<256x4096xbf16> to vector<256x2048xbf16>
      %sub3A = vector.broadcast %convert_element_type3A_66 : vector<256x1xbf16> to vector<256x2048xbf16>
      %sub3A_68 = arith.subf %slice3A_67, %sub3A : vector<256x2048xbf16>
      %exp23A = math.exp2 %sub3A_68 : vector<256x2048xbf16>
      %slice3A_69 = vector.extract_strided_slice %convert_element_type3A_46 {offsets = [0, 2048], sizes = [256, 2048], strides = [1, 1]} : vector<256x4096xbf16> to vector<256x2048xbf16>
      %sub3A_70 = vector.broadcast %convert_element_type3A_66 : vector<256x1xbf16> to vector<256x2048xbf16>
      %sub3A_71 = arith.subf %slice3A_69, %sub3A_70 : vector<256x2048xbf16>
      %exp23A_72 = math.exp2 %sub3A_71 : vector<256x2048xbf16>
      %add3A = arith.addf %exp23A, %exp23A_72 : vector<256x2048xbf16>
      %slice3A_73 = vector.extract_strided_slice %add3A {offsets = [0, 0], sizes = [256, 1024], strides = [1, 1]} : vector<256x2048xbf16> to vector<256x1024xbf16>
      %slice3A_74 = vector.extract_strided_slice %add3A {offsets = [0, 1024], sizes = [256, 1024], strides = [1, 1]} : vector<256x2048xbf16> to vector<256x1024xbf16>
      %add3A_75 = arith.addf %slice3A_73, %slice3A_74 : vector<256x1024xbf16>
      %slice3A_76 = vector.extract_strided_slice %add3A_75 {offsets = [0, 0], sizes = [256, 512], strides = [1, 1]} : vector<256x1024xbf16> to vector<256x512xbf16>
      %slice3A_77 = vector.extract_strided_slice %add3A_75 {offsets = [0, 512], sizes = [256, 512], strides = [1, 1]} : vector<256x1024xbf16> to vector<256x512xbf16>
      %add3A_78 = arith.addf %slice3A_76, %slice3A_77 : vector<256x512xbf16>
      %slice3A_79 = vector.extract_strided_slice %add3A_78 {offsets = [0, 0], sizes = [256, 256], strides = [1, 1]} : vector<256x512xbf16> to vector<256x256xbf16>
      %slice3A_80 = vector.extract_strided_slice %add3A_78 {offsets = [0, 256], sizes = [256, 256], strides = [1, 1]} : vector<256x512xbf16> to vector<256x256xbf16>
      %add3A_81 = arith.addf %slice3A_79, %slice3A_80 : vector<256x256xbf16>
      %slice3A_82 = vector.extract_strided_slice %add3A_81 {offsets = [0, 0], sizes = [256, 128], strides = [1, 1]} : vector<256x256xbf16> to vector<256x128xbf16>
      %slice3A_83 = vector.extract_strided_slice %add3A_81 {offsets = [0, 128], sizes = [256, 128], strides = [1, 1]} : vector<256x256xbf16> to vector<256x128xbf16>
      %add3A_84 = arith.addf %slice3A_82, %slice3A_83 : vector<256x128xbf16>
      %convert_element_type3A_85 = arith.extf %add3A_84 : vector<256x128xbf16> to vector<256x128xf32>
      %reduce_sum3A = arith.constant dense<0.000000e+00> : vector<256xf32>
      %reduce_sum3A_86 = vector.multi_reduction <add>, %convert_element_type3A_85, %reduce_sum3A [1] : vector<256x128xf32> to vector<256xf32>
      %broadcast_in_dim3A_87 = vector.shape_cast %reduce_sum3A_86 : vector<256xf32> to vector<256x1xf32>
      %get3A_88 = arith.constant 0 : index
      %get3A_89 = arith.constant 0 : index
      %get3A_90 = vector.load %arg11[%get3A_88, %get3A_89] : memref<1024x1xf32, #tpu.memory_space<vmem>>, vector<256x1xf32>
      %sub3A_91 = arith.subf %get3A_64, %max3A_65 : vector<256x1xf32>
      %exp23A_92 = math.exp2 %sub3A_91 : vector<256x1xf32>
      %mul3A_93 = arith.mulf %get3A_90, %exp23A_92 : vector<256x1xf32>
      %add3A_94 = arith.addf %mul3A_93, %broadcast_in_dim3A_87 : vector<256x1xf32>
      %swap3A = arith.constant 0 : index
      %swap3A_95 = arith.constant 0 : index
      %swap3A_96 = vector.load %arg11[%swap3A, %swap3A_95] : memref<1024x1xf32, #tpu.memory_space<vmem>>, vector<256x1xf32>
      tpu.vector_store %arg11[%swap3A, %swap3A_95], %add3A_94 {strides = array<i32>} : memref<1024x1xf32, #tpu.memory_space<vmem>>, vector<256x1xf32>,
      %swap3A_97 = arith.constant 0 : index
      %swap3A_98 = arith.constant 0 : index
      %swap3A_99 = vector.load %arg10[%swap3A_97, %swap3A_98] : memref<1024x1xf32, #tpu.memory_space<vmem>>, vector<256x1xf32>
      tpu.vector_store %arg10[%swap3A_97, %swap3A_98], %max3A_65 {strides = array<i32>} : memref<1024x1xf32, #tpu.memory_space<vmem>>, vector<256x1xf32>,
      %get3A_100 = arith.constant 256 : index
      %get3A_101 = arith.constant 0 : index
      %get3A_102 = vector.load %arg1[%get3A_100, %get3A_101] : memref<1024x128xbf16, #tpu.memory_space<vmem>>, vector<256x128xbf16>
      %dot_general3A_103 = arith.constant dense<0.000000e+00> : vector<256x4096xf32>
      %dot_general3A_104 = tpu.matmul %get3A_102, %convert_element_type3A_41, %dot_general3A_103 {dimension_numbers = #tpu.dot_dimension_numbers<[1], [1], [0], [0], [0, 0, 1, 0], [], []>, transpose_lhs_hint = false} : vector<256x128xbf16>, vector<4096x128xbf16>, vector<256x4096xf32> -> vector<256x4096xf32>
      %convert_element_type3A_105 = arith.truncf %dot_general3A_104 : vector<256x4096xf32> to vector<256x4096xbf16>
      %slice3A_106 = vector.extract_strided_slice %convert_element_type3A_105 {offsets = [0, 0], sizes = [256, 2048], strides = [1, 1]} : vector<256x4096xbf16> to vector<256x2048xbf16>
      %slice3A_107 = vector.extract_strided_slice %convert_element_type3A_105 {offsets = [0, 2048], sizes = [256, 2048], strides = [1, 1]} : vector<256x4096xbf16> to vector<256x2048xbf16>
      %max3A_108 = arith.maximumf %slice3A_106, %slice3A_107 : vector<256x2048xbf16>
      %slice3A_109 = vector.extract_strided_slice %max3A_108 {offsets = [0, 0], sizes = [256, 1024], strides = [1, 1]} : vector<256x2048xbf16> to vector<256x1024xbf16>
      %slice3A_110 = vector.extract_strided_slice %max3A_108 {offsets = [0, 1024], sizes = [256, 1024], strides = [1, 1]} : vector<256x2048xbf16> to vector<256x1024xbf16>
      %max3A_111 = arith.maximumf %slice3A_109, %slice3A_110 : vector<256x1024xbf16>
      %slice3A_112 = vector.extract_strided_slice %max3A_111 {offsets = [0, 0], sizes = [256, 512], strides = [1, 1]} : vector<256x1024xbf16> to vector<256x512xbf16>
      %slice3A_113 = vector.extract_strided_slice %max3A_111 {offsets = [0, 512], sizes = [256, 512], strides = [1, 1]} : vector<256x1024xbf16> to vector<256x512xbf16>
      %max3A_114 = arith.maximumf %slice3A_112, %slice3A_113 : vector<256x512xbf16>
      %slice3A_115 = vector.extract_strided_slice %max3A_114 {offsets = [0, 0], sizes = [256, 256], strides = [1, 1]} : vector<256x512xbf16> to vector<256x256xbf16>
      %slice3A_116 = vector.extract_strided_slice %max3A_114 {offsets = [0, 256], sizes = [256, 256], strides = [1, 1]} : vector<256x512xbf16> to vector<256x256xbf16>
      %max3A_117 = arith.maximumf %slice3A_115, %slice3A_116 : vector<256x256xbf16>
      %slice3A_118 = vector.extract_strided_slice %max3A_117 {offsets = [0, 0], sizes = [256, 128], strides = [1, 1]} : vector<256x256xbf16> to vector<256x128xbf16>
      %slice3A_119 = vector.extract_strided_slice %max3A_117 {offsets = [0, 128], sizes = [256, 128], strides = [1, 1]} : vector<256x256xbf16> to vector<256x128xbf16>
      %max3A_120 = arith.maximumf %slice3A_118, %slice3A_119 : vector<256x128xbf16>
      %convert_element_type3A_121 = arith.extf %max3A_120 : vector<256x128xbf16> to vector<256x128xf32>
      %reduce_max3A_122 = arith.constant dense<0xFF800000> : vector<256xf32>
      %reduce_max3A_123 = vector.multi_reduction <maximumf>, %convert_element_type3A_121, %reduce_max3A_122 [1] : vector<256x128xf32> to vector<256xf32>
      %broadcast_in_dim3A_124 = vector.shape_cast %reduce_max3A_123 : vector<256xf32> to vector<256x1xf32>
      %get3A_125 = arith.constant 256 : index
      %get3A_126 = arith.constant 0 : index
      %get3A_127 = vector.load %arg10[%get3A_125, %get3A_126] : memref<1024x1xf32, #tpu.memory_space<vmem>>, vector<256x1xf32>
      %max3A_128 = arith.maximumf %get3A_127, %broadcast_in_dim3A_124 : vector<256x1xf32>
      %convert_element_type3A_129 = arith.truncf %max3A_128 : vector<256x1xf32> to vector<256x1xbf16>
      %slice3A_130 = vector.extract_strided_slice %convert_element_type3A_105 {offsets = [0, 0], sizes = [256, 2048], strides = [1, 1]} : vector<256x4096xbf16> to vector<256x2048xbf16>
      %sub3A_131 = vector.broadcast %convert_element_type3A_129 : vector<256x1xbf16> to vector<256x2048xbf16>
      %sub3A_132 = arith.subf %slice3A_130, %sub3A_131 : vector<256x2048xbf16>
      %exp23A_133 = math.exp2 %sub3A_132 : vector<256x2048xbf16>
      %slice3A_134 = vector.extract_strided_slice %convert_element_type3A_105 {offsets = [0, 2048], sizes = [256, 2048], strides = [1, 1]} : vector<256x4096xbf16> to vector<256x2048xbf16>
      %sub3A_135 = vector.broadcast %convert_element_type3A_129 : vector<256x1xbf16> to vector<256x2048xbf16>
      %sub3A_136 = arith.subf %slice3A_134, %sub3A_135 : vector<256x2048xbf16>
      %exp23A_137 = math.exp2 %sub3A_136 : vector<256x2048xbf16>
      %add3A_138 = arith.addf %exp23A_133, %exp23A_137 : vector<256x2048xbf16>
      %slice3A_139 = vector.extract_strided_slice %add3A_138 {offsets = [0, 0], sizes = [256, 1024], strides = [1, 1]} : vector<256x2048xbf16> to vector<256x1024xbf16>
      %slice3A_140 = vector.extract_strided_slice %add3A_138 {offsets = [0, 1024], sizes = [256, 1024], strides = [1, 1]} : vector<256x2048xbf16> to vector<256x1024xbf16>
      %add3A_141 = arith.addf %slice3A_139, %slice3A_140 : vector<256x1024xbf16>
      %slice3A_142 = vector.extract_strided_slice %add3A_141 {offsets = [0, 0], sizes = [256, 512], strides = [1, 1]} : vector<256x1024xbf16> to vector<256x512xbf16>
      %slice3A_143 = vector.extract_strided_slice %add3A_141 {offsets = [0, 512], sizes = [256, 512], strides = [1, 1]} : vector<256x1024xbf16> to vector<256x512xbf16>
      %add3A_144 = arith.addf %slice3A_142, %slice3A_143 : vector<256x512xbf16>
      %slice3A_145 = vector.extract_strided_slice %add3A_144 {offsets = [0, 0], sizes = [256, 256], strides = [1, 1]} : vector<256x512xbf16> to vector<256x256xbf16>
      %slice3A_146 = vector.extract_strided_slice %add3A_144 {offsets = [0, 256], sizes = [256, 256], strides = [1, 1]} : vector<256x512xbf16> to vector<256x256xbf16>
      %add3A_147 = arith.addf %slice3A_145, %slice3A_146 : vector<256x256xbf16>
      %slice3A_148 = vector.extract_strided_slice %add3A_147 {offsets = [0, 0], sizes = [256, 128], strides = [1, 1]} : vector<256x256xbf16> to vector<256x128xbf16>
      %slice3A_149 = vector.extract_strided_slice %add3A_147 {offsets = [0, 128], sizes = [256, 128], strides = [1, 1]} : vector<256x256xbf16> to vector<256x128xbf16>
      %add3A_150 = arith.addf %slice3A_148, %slice3A_149 : vector<256x128xbf16>
      %convert_element_type3A_151 = arith.extf %add3A_150 : vector<256x128xbf16> to vector<256x128xf32>
      %reduce_sum3A_152 = arith.constant dense<0.000000e+00> : vector<256xf32>
      %reduce_sum3A_153 = vector.multi_reduction <add>, %convert_element_type3A_151, %reduce_sum3A_152 [1] : vector<256x128xf32> to vector<256xf32>
      %broadcast_in_dim3A_154 = vector.shape_cast %reduce_sum3A_153 : vector<256xf32> to vector<256x1xf32>
      %get3A_155 = arith.constant 256 : index
      %get3A_156 = arith.constant 0 : index
      %get3A_157 = vector.load %arg11[%get3A_155, %get3A_156] : memref<1024x1xf32, #tpu.memory_space<vmem>>, vector<256x1xf32>
      %sub3A_158 = arith.subf %get3A_127, %max3A_128 : vector<256x1xf32>
      %exp23A_159 = math.exp2 %sub3A_158 : vector<256x1xf32>
      %mul3A_160 = arith.mulf %get3A_157, %exp23A_159 : vector<256x1xf32>
      %add3A_161 = arith.addf %mul3A_160, %broadcast_in_dim3A_154 : vector<256x1xf32>
      %swap3A_162 = arith.constant 256 : index
      %swap3A_163 = arith.constant 0 : index
      %swap3A_164 = vector.load %arg11[%swap3A_162, %swap3A_163] : memref<1024x1xf32, #tpu.memory_space<vmem>>, vector<256x1xf32>
      tpu.vector_store %arg11[%swap3A_162, %swap3A_163], %add3A_161 {strides = array<i32>} : memref<1024x1xf32, #tpu.memory_space<vmem>>, vector<256x1xf32>,
      %swap3A_165 = arith.constant 256 : index
      %swap3A_166 = arith.constant 0 : index
      %swap3A_167 = vector.load %arg10[%swap3A_165, %swap3A_166] : memref<1024x1xf32, #tpu.memory_space<vmem>>, vector<256x1xf32>
      tpu.vector_store %arg10[%swap3A_165, %swap3A_166], %max3A_128 {strides = array<i32>} : memref<1024x1xf32, #tpu.memory_space<vmem>>, vector<256x1xf32>,
      %get3A_168 = arith.constant 512 : index
      %get3A_169 = arith.constant 0 : index
      %get3A_170 = vector.load %arg1[%get3A_168, %get3A_169] : memref<1024x128xbf16, #tpu.memory_space<vmem>>, vector<256x128xbf16>
      %dot_general3A_171 = arith.constant dense<0.000000e+00> : vector<256x4096xf32>
      %dot_general3A_172 = tpu.matmul %get3A_170, %convert_element_type3A_41, %dot_general3A_171 {dimension_numbers = #tpu.dot_dimension_numbers<[1], [1], [0], [0], [0, 0, 1, 0], [], []>, transpose_lhs_hint = false} : vector<256x128xbf16>, vector<4096x128xbf16>, vector<256x4096xf32> -> vector<256x4096xf32>
      %convert_element_type3A_173 = arith.truncf %dot_general3A_172 : vector<256x4096xf32> to vector<256x4096xbf16>
      %slice3A_174 = vector.extract_strided_slice %convert_element_type3A_173 {offsets = [0, 0], sizes = [256, 2048], strides = [1, 1]} : vector<256x4096xbf16> to vector<256x2048xbf16>
      %slice3A_175 = vector.extract_strided_slice %convert_element_type3A_173 {offsets = [0, 2048], sizes = [256, 2048], strides = [1, 1]} : vector<256x4096xbf16> to vector<256x2048xbf16>
      %max3A_176 = arith.maximumf %slice3A_174, %slice3A_175 : vector<256x2048xbf16>
      %slice3A_177 = vector.extract_strided_slice %max3A_176 {offsets = [0, 0], sizes = [256, 1024], strides = [1, 1]} : vector<256x2048xbf16> to vector<256x1024xbf16>
      %slice3A_178 = vector.extract_strided_slice %max3A_176 {offsets = [0, 1024], sizes = [256, 1024], strides = [1, 1]} : vector<256x2048xbf16> to vector<256x1024xbf16>
      %max3A_179 = arith.maximumf %slice3A_177, %slice3A_178 : vector<256x1024xbf16>
      %slice3A_180 = vector.extract_strided_slice %max3A_179 {offsets = [0, 0], sizes = [256, 512], strides = [1, 1]} : vector<256x1024xbf16> to vector<256x512xbf16>
      %slice3A_181 = vector.extract_strided_slice %max3A_179 {offsets = [0, 512], sizes = [256, 512], strides = [1, 1]} : vector<256x1024xbf16> to vector<256x512xbf16>
      %max3A_182 = arith.maximumf %slice3A_180, %slice3A_181 : vector<256x512xbf16>
      %slice3A_183 = vector.extract_strided_slice %max3A_182 {offsets = [0, 0], sizes = [256, 256], strides = [1, 1]} : vector<256x512xbf16> to vector<256x256xbf16>
      %slice3A_184 = vector.extract_strided_slice %max3A_182 {offsets = [0, 256], sizes = [256, 256], strides = [1, 1]} : vector<256x512xbf16> to vector<256x256xbf16>
      %max3A_185 = arith.maximumf %slice3A_183, %slice3A_184 : vector<256x256xbf16>
      %slice3A_186 = vector.extract_strided_slice %max3A_185 {offsets = [0, 0], sizes = [256, 128], strides = [1, 1]} : vector<256x256xbf16> to vector<256x128xbf16>
      %slice3A_187 = vector.extract_strided_slice %max3A_185 {offsets = [0, 128], sizes = [256, 128], strides = [1, 1]} : vector<256x256xbf16> to vector<256x128xbf16>
      %max3A_188 = arith.maximumf %slice3A_186, %slice3A_187 : vector<256x128xbf16>
      %convert_element_type3A_189 = arith.extf %max3A_188 : vector<256x128xbf16> to vector<256x128xf32>
      %reduce_max3A_190 = arith.constant dense<0xFF800000> : vector<256xf32>
      %reduce_max3A_191 = vector.multi_reduction <maximumf>, %convert_element_type3A_189, %reduce_max3A_190 [1] : vector<256x128xf32> to vector<256xf32>
      %broadcast_in_dim3A_192 = vector.shape_cast %reduce_max3A_191 : vector<256xf32> to vector<256x1xf32>
      %get3A_193 = arith.constant 512 : index
      %get3A_194 = arith.constant 0 : index
      %get3A_195 = vector.load %arg10[%get3A_193, %get3A_194] : memref<1024x1xf32, #tpu.memory_space<vmem>>, vector<256x1xf32>
      %max3A_196 = arith.maximumf %get3A_195, %broadcast_in_dim3A_192 : vector<256x1xf32>
      %convert_element_type3A_197 = arith.truncf %max3A_196 : vector<256x1xf32> to vector<256x1xbf16>
      %slice3A_198 = vector.extract_strided_slice %convert_element_type3A_173 {offsets = [0, 0], sizes = [256, 2048], strides = [1, 1]} : vector<256x4096xbf16> to vector<256x2048xbf16>
      %sub3A_199 = vector.broadcast %convert_element_type3A_197 : vector<256x1xbf16> to vector<256x2048xbf16>
      %sub3A_200 = arith.subf %slice3A_198, %sub3A_199 : vector<256x2048xbf16>
      %exp23A_201 = math.exp2 %sub3A_200 : vector<256x2048xbf16>
      %slice3A_202 = vector.extract_strided_slice %convert_element_type3A_173 {offsets = [0, 2048], sizes = [256, 2048], strides = [1, 1]} : vector<256x4096xbf16> to vector<256x2048xbf16>
      %sub3A_203 = vector.broadcast %convert_element_type3A_197 : vector<256x1xbf16> to vector<256x2048xbf16>
      %sub3A_204 = arith.subf %slice3A_202, %sub3A_203 : vector<256x2048xbf16>
      %exp23A_205 = math.exp2 %sub3A_204 : vector<256x2048xbf16>
      %add3A_206 = arith.addf %exp23A_201, %exp23A_205 : vector<256x2048xbf16>
      %slice3A_207 = vector.extract_strided_slice %add3A_206 {offsets = [0, 0], sizes = [256, 1024], strides = [1, 1]} : vector<256x2048xbf16> to vector<256x1024xbf16>
      %slice3A_208 = vector.extract_strided_slice %add3A_206 {offsets = [0, 1024], sizes = [256, 1024], strides = [1, 1]} : vector<256x2048xbf16> to vector<256x1024xbf16>
      %add3A_209 = arith.addf %slice3A_207, %slice3A_208 : vector<256x1024xbf16>
      %slice3A_210 = vector.extract_strided_slice %add3A_209 {offsets = [0, 0], sizes = [256, 512], strides = [1, 1]} : vector<256x1024xbf16> to vector<256x512xbf16>
      %slice3A_211 = vector.extract_strided_slice %add3A_209 {offsets = [0, 512], sizes = [256, 512], strides = [1, 1]} : vector<256x1024xbf16> to vector<256x512xbf16>
      %add3A_212 = arith.addf %slice3A_210, %slice3A_211 : vector<256x512xbf16>
      %slice3A_213 = vector.extract_strided_slice %add3A_212 {offsets = [0, 0], sizes = [256, 256], strides = [1, 1]} : vector<256x512xbf16> to vector<256x256xbf16>
      %slice3A_214 = vector.extract_strided_slice %add3A_212 {offsets = [0, 256], sizes = [256, 256], strides = [1, 1]} : vector<256x512xbf16> to vector<256x256xbf16>
      %add3A_215 = arith.addf %slice3A_213, %slice3A_214 : vector<256x256xbf16>
      %slice3A_216 = vector.extract_strided_slice %add3A_215 {offsets = [0, 0], sizes = [256, 128], strides = [1, 1]} : vector<256x256xbf16> to vector<256x128xbf16>
      %slice3A_217 = vector.extract_strided_slice %add3A_215 {offsets = [0, 128], sizes = [256, 128], strides = [1, 1]} : vector<256x256xbf16> to vector<256x128xbf16>
      %add3A_218 = arith.addf %slice3A_216, %slice3A_217 : vector<256x128xbf16>
      %convert_element_type3A_219 = arith.extf %add3A_218 : vector<256x128xbf16> to vector<256x128xf32>
      %reduce_sum3A_220 = arith.constant dense<0.000000e+00> : vector<256xf32>
      %reduce_sum3A_221 = vector.multi_reduction <add>, %convert_element_type3A_219, %reduce_sum3A_220 [1] : vector<256x128xf32> to vector<256xf32>
      %broadcast_in_dim3A_222 = vector.shape_cast %reduce_sum3A_221 : vector<256xf32> to vector<256x1xf32>
      %get3A_223 = arith.constant 512 : index
      %get3A_224 = arith.constant 0 : index
      %get3A_225 = vector.load %arg11[%get3A_223, %get3A_224] : memref<1024x1xf32, #tpu.memory_space<vmem>>, vector<256x1xf32>
      %sub3A_226 = arith.subf %get3A_195, %max3A_196 : vector<256x1xf32>
      %exp23A_227 = math.exp2 %sub3A_226 : vector<256x1xf32>
      %mul3A_228 = arith.mulf %get3A_225, %exp23A_227 : vector<256x1xf32>
      %add3A_229 = arith.addf %mul3A_228, %broadcast_in_dim3A_222 : vector<256x1xf32>
      %swap3A_230 = arith.constant 512 : index
      %swap3A_231 = arith.constant 0 : index
      %swap3A_232 = vector.load %arg11[%swap3A_230, %swap3A_231] : memref<1024x1xf32, #tpu.memory_space<vmem>>, vector<256x1xf32>
      tpu.vector_store %arg11[%swap3A_230, %swap3A_231], %add3A_229 {strides = array<i32>} : memref<1024x1xf32, #tpu.memory_space<vmem>>, vector<256x1xf32>,
      %swap3A_233 = arith.constant 512 : index
      %swap3A_234 = arith.constant 0 : index
      %swap3A_235 = vector.load %arg10[%swap3A_233, %swap3A_234] : memref<1024x1xf32, #tpu.memory_space<vmem>>, vector<256x1xf32>
      tpu.vector_store %arg10[%swap3A_233, %swap3A_234], %max3A_196 {strides = array<i32>} : memref<1024x1xf32, #tpu.memory_space<vmem>>, vector<256x1xf32>,
      %get3A_236 = arith.constant 768 : index
      %get3A_237 = arith.constant 0 : index
      %get3A_238 = vector.load %arg1[%get3A_236, %get3A_237] : memref<1024x128xbf16, #tpu.memory_space<vmem>>, vector<256x128xbf16>
      %dot_general3A_239 = arith.constant dense<0.000000e+00> : vector<256x4096xf32>
      %dot_general3A_240 = tpu.matmul %get3A_238, %convert_element_type3A_41, %dot_general3A_239 {dimension_numbers = #tpu.dot_dimension_numbers<[1], [1], [0], [0], [0, 0, 1, 0], [], []>, transpose_lhs_hint = false} : vector<256x128xbf16>, vector<4096x128xbf16>, vector<256x4096xf32> -> vector<256x4096xf32>
      %convert_element_type3A_241 = arith.truncf %dot_general3A_240 : vector<256x4096xf32> to vector<256x4096xbf16>
      %slice3A_242 = vector.extract_strided_slice %convert_element_type3A_241 {offsets = [0, 0], sizes = [256, 2048], strides = [1, 1]} : vector<256x4096xbf16> to vector<256x2048xbf16>
      %slice3A_243 = vector.extract_strided_slice %convert_element_type3A_241 {offsets = [0, 2048], sizes = [256, 2048], strides = [1, 1]} : vector<256x4096xbf16> to vector<256x2048xbf16>
      %max3A_244 = arith.maximumf %slice3A_242, %slice3A_243 : vector<256x2048xbf16>
      %slice3A_245 = vector.extract_strided_slice %max3A_244 {offsets = [0, 0], sizes = [256, 1024], strides = [1, 1]} : vector<256x2048xbf16> to vector<256x1024xbf16>
      %slice3A_246 = vector.extract_strided_slice %max3A_244 {offsets = [0, 1024], sizes = [256, 1024], strides = [1, 1]} : vector<256x2048xbf16> to vector<256x1024xbf16>
      %max3A_247 = arith.maximumf %slice3A_245, %slice3A_246 : vector<256x1024xbf16>
      %slice3A_248 = vector.extract_strided_slice %max3A_247 {offsets = [0, 0], sizes = [256, 512], strides = [1, 1]} : vector<256x1024xbf16> to vector<256x512xbf16>
      %slice3A_249 = vector.extract_strided_slice %max3A_247 {offsets = [0, 512], sizes = [256, 512], strides = [1, 1]} : vector<256x1024xbf16> to vector<256x512xbf16>
      %max3A_250 = arith.maximumf %slice3A_248, %slice3A_249 : vector<256x512xbf16>
      %slice3A_251 = vector.extract_strided_slice %max3A_250 {offsets = [0, 0], sizes = [256, 256], strides = [1, 1]} : vector<256x512xbf16> to vector<256x256xbf16>
      %slice3A_252 = vector.extract_strided_slice %max3A_250 {offsets = [0, 256], sizes = [256, 256], strides = [1, 1]} : vector<256x512xbf16> to vector<256x256xbf16>
      %max3A_253 = arith.maximumf %slice3A_251, %slice3A_252 : vector<256x256xbf16>
      %slice3A_254 = vector.extract_strided_slice %max3A_253 {offsets = [0, 0], sizes = [256, 128], strides = [1, 1]} : vector<256x256xbf16> to vector<256x128xbf16>
      %slice3A_255 = vector.extract_strided_slice %max3A_253 {offsets = [0, 128], sizes = [256, 128], strides = [1, 1]} : vector<256x256xbf16> to vector<256x128xbf16>
      %max3A_256 = arith.maximumf %slice3A_254, %slice3A_255 : vector<256x128xbf16>
      %convert_element_type3A_257 = arith.extf %max3A_256 : vector<256x128xbf16> to vector<256x128xf32>
      %reduce_max3A_258 = arith.constant dense<0xFF800000> : vector<256xf32>
      %reduce_max3A_259 = vector.multi_reduction <maximumf>, %convert_element_type3A_257, %reduce_max3A_258 [1] : vector<256x128xf32> to vector<256xf32>
      %broadcast_in_dim3A_260 = vector.shape_cast %reduce_max3A_259 : vector<256xf32> to vector<256x1xf32>
      %get3A_261 = arith.constant 768 : index
      %get3A_262 = arith.constant 0 : index
      %get3A_263 = vector.load %arg10[%get3A_261, %get3A_262] : memref<1024x1xf32, #tpu.memory_space<vmem>>, vector<256x1xf32>
      %max3A_264 = arith.maximumf %get3A_263, %broadcast_in_dim3A_260 : vector<256x1xf32>
      %convert_element_type3A_265 = arith.truncf %max3A_264 : vector<256x1xf32> to vector<256x1xbf16>
      %slice3A_266 = vector.extract_strided_slice %convert_element_type3A_241 {offsets = [0, 0], sizes = [256, 2048], strides = [1, 1]} : vector<256x4096xbf16> to vector<256x2048xbf16>
      %sub3A_267 = vector.broadcast %convert_element_type3A_265 : vector<256x1xbf16> to vector<256x2048xbf16>
      %sub3A_268 = arith.subf %slice3A_266, %sub3A_267 : vector<256x2048xbf16>
      %exp23A_269 = math.exp2 %sub3A_268 : vector<256x2048xbf16>
      %slice3A_270 = vector.extract_strided_slice %convert_element_type3A_241 {offsets = [0, 2048], sizes = [256, 2048], strides = [1, 1]} : vector<256x4096xbf16> to vector<256x2048xbf16>
      %sub3A_271 = vector.broadcast %convert_element_type3A_265 : vector<256x1xbf16> to vector<256x2048xbf16>
      %sub3A_272 = arith.subf %slice3A_270, %sub3A_271 : vector<256x2048xbf16>
      %exp23A_273 = math.exp2 %sub3A_272 : vector<256x2048xbf16>
      %add3A_274 = arith.addf %exp23A_269, %exp23A_273 : vector<256x2048xbf16>
      %slice3A_275 = vector.extract_strided_slice %add3A_274 {offsets = [0, 0], sizes = [256, 1024], strides = [1, 1]} : vector<256x2048xbf16> to vector<256x1024xbf16>
      %slice3A_276 = vector.extract_strided_slice %add3A_274 {offsets = [0, 1024], sizes = [256, 1024], strides = [1, 1]} : vector<256x2048xbf16> to vector<256x1024xbf16>
      %add3A_277 = arith.addf %slice3A_275, %slice3A_276 : vector<256x1024xbf16>
      %slice3A_278 = vector.extract_strided_slice %add3A_277 {offsets = [0, 0], sizes = [256, 512], strides = [1, 1]} : vector<256x1024xbf16> to vector<256x512xbf16>
      %slice3A_279 = vector.extract_strided_slice %add3A_277 {offsets = [0, 512], sizes = [256, 512], strides = [1, 1]} : vector<256x1024xbf16> to vector<256x512xbf16>
      %add3A_280 = arith.addf %slice3A_278, %slice3A_279 : vector<256x512xbf16>
      %slice3A_281 = vector.extract_strided_slice %add3A_280 {offsets = [0, 0], sizes = [256, 256], strides = [1, 1]} : vector<256x512xbf16> to vector<256x256xbf16>
      %slice3A_282 = vector.extract_strided_slice %add3A_280 {offsets = [0, 256], sizes = [256, 256], strides = [1, 1]} : vector<256x512xbf16> to vector<256x256xbf16>
      %add3A_283 = arith.addf %slice3A_281, %slice3A_282 : vector<256x256xbf16>
      %slice3A_284 = vector.extract_strided_slice %add3A_283 {offsets = [0, 0], sizes = [256, 128], strides = [1, 1]} : vector<256x256xbf16> to vector<256x128xbf16>
      %slice3A_285 = vector.extract_strided_slice %add3A_283 {offsets = [0, 128], sizes = [256, 128], strides = [1, 1]} : vector<256x256xbf16> to vector<256x128xbf16>
      %add3A_286 = arith.addf %slice3A_284, %slice3A_285 : vector<256x128xbf16>
      %convert_element_type3A_287 = arith.extf %add3A_286 : vector<256x128xbf16> to vector<256x128xf32>
      %reduce_sum3A_288 = arith.constant dense<0.000000e+00> : vector<256xf32>
      %reduce_sum3A_289 = vector.multi_reduction <add>, %convert_element_type3A_287, %reduce_sum3A_288 [1] : vector<256x128xf32> to vector<256xf32>
      %broadcast_in_dim3A_290 = vector.shape_cast %reduce_sum3A_289 : vector<256xf32> to vector<256x1xf32>
      %get3A_291 = arith.constant 768 : index
      %get3A_292 = arith.constant 0 : index
      %get3A_293 = vector.load %arg11[%get3A_291, %get3A_292] : memref<1024x1xf32, #tpu.memory_space<vmem>>, vector<256x1xf32>
      %sub3A_294 = arith.subf %get3A_263, %max3A_264 : vector<256x1xf32>
      %exp23A_295 = math.exp2 %sub3A_294 : vector<256x1xf32>
      %mul3A_296 = arith.mulf %get3A_293, %exp23A_295 : vector<256x1xf32>
      %add3A_297 = arith.addf %mul3A_296, %broadcast_in_dim3A_290 : vector<256x1xf32>
      %swap3A_298 = arith.constant 768 : index
      %swap3A_299 = arith.constant 0 : index
      %swap3A_300 = vector.load %arg11[%swap3A_298, %swap3A_299] : memref<1024x1xf32, #tpu.memory_space<vmem>>, vector<256x1xf32>
      tpu.vector_store %arg11[%swap3A_298, %swap3A_299], %add3A_297 {strides = array<i32>} : memref<1024x1xf32, #tpu.memory_space<vmem>>, vector<256x1xf32>,
      %swap3A_301 = arith.constant 768 : index
      %swap3A_302 = arith.constant 0 : index
      %swap3A_303 = vector.load %arg10[%swap3A_301, %swap3A_302] : memref<1024x1xf32, #tpu.memory_space<vmem>>, vector<256x1xf32>
      tpu.vector_store %arg10[%swap3A_301, %swap3A_302], %max3A_264 {strides = array<i32>} : memref<1024x1xf32, #tpu.memory_space<vmem>>, vector<256x1xf32>,
    } else {
    }
    %eq3A_6 = arith.constant 24 : i32
    %eq3A_7 = arith.cmpi eq, %arg0, %eq3A_6 : i32
    %convert_element_type3A_8 = arith.extui %eq3A_7 : i1 to i32
    %cond3A_9 = arith.constant 0 : i32
    %cond3A_10 = arith.cmpi ne, %convert_element_type3A_8, %cond3A_9 : i32
    scf.if %cond3A_10 {
      %get3A = arith.constant 0 : index
      %get3A_27 = arith.constant 0 : index
      %get3A_28 = arith.constant 0 : index
      %get3A_29 = vector.load %arg4[%get3A, %get3A_27, %get3A_28] : memref<1x4096x1xf32, #tpu.memory_space<vmem>>, vector<1x4096x1xf32>
      %get3A_30 = vector.shape_cast %get3A_29 : vector<1x4096x1xf32> to vector<4096x1xf32>
      %mul3A = arith.constant -0.00999999977 : f32
      %mul3A_31 = vector.broadcast %mul3A : f32 to vector<4096x1xf32>
      %mul3A_32 = arith.mulf %mul3A_31, %get3A_30 : vector<4096x1xf32>
      %exp3A = math.exp %mul3A_32 : vector<4096x1xf32>
      %mul3A_33 = arith.constant 43.2808495 : f32
      %mul3A_34 = vector.broadcast %mul3A_33 : f32 to vector<4096x1xf32>
      %mul3A_35 = arith.mulf %exp3A, %mul3A_34 : vector<4096x1xf32>
      %get3A_36 = arith.constant 0 : index
      %get3A_37 = arith.constant 0 : index
      %get3A_38 = vector.load %arg2[%get3A_36, %get3A_37] : memref<4096x128xf32, #tpu.memory_space<vmem>>, vector<4096x128xf32>
      %mul3A_39 = vector.broadcast %mul3A_35 : vector<4096x1xf32> to vector<4096x128xf32>
      %mul3A_40 = arith.mulf %get3A_38, %mul3A_39 : vector<4096x128xf32>
      %convert_element_type3A_41 = arith.truncf %mul3A_40 : vector<4096x128xf32> to vector<4096x128xbf16>
      %get3A_42 = arith.constant 0 : index
      %get3A_43 = arith.constant 0 : index
      %get3A_44 = vector.load %arg1[%get3A_42, %get3A_43] : memref<1024x128xbf16, #tpu.memory_space<vmem>>, vector<256x128xbf16>
      %dot_general3A = arith.constant dense<0.000000e+00> : vector<256x4096xf32>
      %dot_general3A_45 = tpu.matmul %get3A_44, %convert_element_type3A_41, %dot_general3A {dimension_numbers = #tpu.dot_dimension_numbers<[1], [1], [0], [0], [0, 0, 1, 0], [], []>, transpose_lhs_hint = false} : vector<256x128xbf16>, vector<4096x128xbf16>, vector<256x4096xf32> -> vector<256x4096xf32>
      %convert_element_type3A_46 = arith.truncf %dot_general3A_45 : vector<256x4096xf32> to vector<256x4096xbf16>
      %iota3A = tpu.iota {dimensions = array<i32: 1>} : vector<1x4096xi32>
      %lt3A_47 = arith.constant 1696 : i32
      %lt3A_48 = vector.broadcast %lt3A_47 : i32 to vector<1x4096xi32>
      %lt3A_49 = arith.cmpi slt, %iota3A, %lt3A_48 : vector<1x4096xi32>
      %jit3A = arith.constant -1.000000e+30 : f32
      %convert_element_type3A_50 = arith.truncf %jit3A : f32 to bf16
      %broadcast_in_dim3A = vector.shape_cast %lt3A_49 : vector<1x4096xi1> to vector<1x4096xi1>
      %broadcast_in_dim3A_51 = vector.broadcast %broadcast_in_dim3A : vector<1x4096xi1> to vector<256x4096xi1>
      %broadcast_in_dim3A_52 = vector.broadcast %convert_element_type3A_50 : bf16 to vector<256x4096xbf16>
      %select_n3A = arith.select %broadcast_in_dim3A_51, %convert_element_type3A_46, %broadcast_in_dim3A_52 : vector<256x4096xi1>, vector<256x4096xbf16>
      %slice3A = vector.extract_strided_slice %select_n3A {offsets = [0, 0], sizes = [256, 2048], strides = [1, 1]} : vector<256x4096xbf16> to vector<256x2048xbf16>
      %slice3A_53 = vector.extract_strided_slice %select_n3A {offsets = [0, 2048], sizes = [256, 2048], strides = [1, 1]} : vector<256x4096xbf16> to vector<256x2048xbf16>
      %max3A = arith.maximumf %slice3A, %slice3A_53 : vector<256x2048xbf16>
      %slice3A_54 = vector.extract_strided_slice %max3A {offsets = [0, 0], sizes = [256, 1024], strides = [1, 1]} : vector<256x2048xbf16> to vector<256x1024xbf16>
      %slice3A_55 = vector.extract_strided_slice %max3A {offsets = [0, 1024], sizes = [256, 1024], strides = [1, 1]} : vector<256x2048xbf16> to vector<256x1024xbf16>
      %max3A_56 = arith.maximumf %slice3A_54, %slice3A_55 : vector<256x1024xbf16>
      %slice3A_57 = vector.extract_strided_slice %max3A_56 {offsets = [0, 0], sizes = [256, 512], strides = [1, 1]} : vector<256x1024xbf16> to vector<256x512xbf16>
      %slice3A_58 = vector.extract_strided_slice %max3A_56 {offsets = [0, 512], sizes = [256, 512], strides = [1, 1]} : vector<256x1024xbf16> to vector<256x512xbf16>
      %max3A_59 = arith.maximumf %slice3A_57, %slice3A_58 : vector<256x512xbf16>
      %slice3A_60 = vector.extract_strided_slice %max3A_59 {offsets = [0, 0], sizes = [256, 256], strides = [1, 1]} : vector<256x512xbf16> to vector<256x256xbf16>
      %slice3A_61 = vector.extract_strided_slice %max3A_59 {offsets = [0, 256], sizes = [256, 256], strides = [1, 1]} : vector<256x512xbf16> to vector<256x256xbf16>
      %max3A_62 = arith.maximumf %slice3A_60, %slice3A_61 : vector<256x256xbf16>
      %slice3A_63 = vector.extract_strided_slice %max3A_62 {offsets = [0, 0], sizes = [256, 128], strides = [1, 1]} : vector<256x256xbf16> to vector<256x128xbf16>
      %slice3A_64 = vector.extract_strided_slice %max3A_62 {offsets = [0, 128], sizes = [256, 128], strides = [1, 1]} : vector<256x256xbf16> to vector<256x128xbf16>
      %max3A_65 = arith.maximumf %slice3A_63, %slice3A_64 : vector<256x128xbf16>
      %convert_element_type3A_66 = arith.extf %max3A_65 : vector<256x128xbf16> to vector<256x128xf32>
      %reduce_max3A = arith.constant dense<0xFF800000> : vector<256xf32>
      %reduce_max3A_67 = vector.multi_reduction <maximumf>, %convert_element_type3A_66, %reduce_max3A [1] : vector<256x128xf32> to vector<256xf32>
      %broadcast_in_dim3A_68 = vector.shape_cast %reduce_max3A_67 : vector<256xf32> to vector<256x1xf32>
      %get3A_69 = arith.constant 0 : index
      %get3A_70 = arith.constant 0 : index
      %get3A_71 = vector.load %arg10[%get3A_69, %get3A_70] : memref<1024x1xf32, #tpu.memory_space<vmem>>, vector<256x1xf32>
      %max3A_72 = arith.maximumf %get3A_71, %broadcast_in_dim3A_68 : vector<256x1xf32>
      %convert_element_type3A_73 = arith.truncf %max3A_72 : vector<256x1xf32> to vector<256x1xbf16>
      %slice3A_74 = vector.extract_strided_slice %select_n3A {offsets = [0, 0], sizes = [256, 2048], strides = [1, 1]} : vector<256x4096xbf16> to vector<256x2048xbf16>
      %sub3A = vector.broadcast %convert_element_type3A_73 : vector<256x1xbf16> to vector<256x2048xbf16>
      %sub3A_75 = arith.subf %slice3A_74, %sub3A : vector<256x2048xbf16>
      %exp23A = math.exp2 %sub3A_75 : vector<256x2048xbf16>
      %slice3A_76 = vector.extract_strided_slice %select_n3A {offsets = [0, 2048], sizes = [256, 2048], strides = [1, 1]} : vector<256x4096xbf16> to vector<256x2048xbf16>
      %sub3A_77 = vector.broadcast %convert_element_type3A_73 : vector<256x1xbf16> to vector<256x2048xbf16>
      %sub3A_78 = arith.subf %slice3A_76, %sub3A_77 : vector<256x2048xbf16>
      %exp23A_79 = math.exp2 %sub3A_78 : vector<256x2048xbf16>
      %add3A = arith.addf %exp23A, %exp23A_79 : vector<256x2048xbf16>
      %slice3A_80 = vector.extract_strided_slice %add3A {offsets = [0, 0], sizes = [256, 1024], strides = [1, 1]} : vector<256x2048xbf16> to vector<256x1024xbf16>
      %slice3A_81 = vector.extract_strided_slice %add3A {offsets = [0, 1024], sizes = [256, 1024], strides = [1, 1]} : vector<256x2048xbf16> to vector<256x1024xbf16>
      %add3A_82 = arith.addf %slice3A_80, %slice3A_81 : vector<256x1024xbf16>
      %slice3A_83 = vector.extract_strided_slice %add3A_82 {offsets = [0, 0], sizes = [256, 512], strides = [1, 1]} : vector<256x1024xbf16> to vector<256x512xbf16>
      %slice3A_84 = vector.extract_strided_slice %add3A_82 {offsets = [0, 512], sizes = [256, 512], strides = [1, 1]} : vector<256x1024xbf16> to vector<256x512xbf16>
      %add3A_85 = arith.addf %slice3A_83, %slice3A_84 : vector<256x512xbf16>
      %slice3A_86 = vector.extract_strided_slice %add3A_85 {offsets = [0, 0], sizes = [256, 256], strides = [1, 1]} : vector<256x512xbf16> to vector<256x256xbf16>
      %slice3A_87 = vector.extract_strided_slice %add3A_85 {offsets = [0, 256], sizes = [256, 256], strides = [1, 1]} : vector<256x512xbf16> to vector<256x256xbf16>
      %add3A_88 = arith.addf %slice3A_86, %slice3A_87 : vector<256x256xbf16>
      %slice3A_89 = vector.extract_strided_slice %add3A_88 {offsets = [0, 0], sizes = [256, 128], strides = [1, 1]} : vector<256x256xbf16> to vector<256x128xbf16>
      %slice3A_90 = vector.extract_strided_slice %add3A_88 {offsets = [0, 128], sizes = [256, 128], strides = [1, 1]} : vector<256x256xbf16> to vector<256x128xbf16>
      %add3A_91 = arith.addf %slice3A_89, %slice3A_90 : vector<256x128xbf16>
      %convert_element_type3A_92 = arith.extf %add3A_91 : vector<256x128xbf16> to vector<256x128xf32>
      %reduce_sum3A = arith.constant dense<0.000000e+00> : vector<256xf32>
      %reduce_sum3A_93 = vector.multi_reduction <add>, %convert_element_type3A_92, %reduce_sum3A [1] : vector<256x128xf32> to vector<256xf32>
      %broadcast_in_dim3A_94 = vector.shape_cast %reduce_sum3A_93 : vector<256xf32> to vector<256x1xf32>
      %get3A_95 = arith.constant 0 : index
      %get3A_96 = arith.constant 0 : index
      %get3A_97 = vector.load %arg11[%get3A_95, %get3A_96] : memref<1024x1xf32, #tpu.memory_space<vmem>>, vector<256x1xf32>
      %sub3A_98 = arith.subf %get3A_71, %max3A_72 : vector<256x1xf32>
      %exp23A_99 = math.exp2 %sub3A_98 : vector<256x1xf32>
      %mul3A_100 = arith.mulf %get3A_97, %exp23A_99 : vector<256x1xf32>
      %add3A_101 = arith.addf %mul3A_100, %broadcast_in_dim3A_94 : vector<256x1xf32>
      %swap3A = arith.constant 0 : index
      %swap3A_102 = arith.constant 0 : index
      %swap3A_103 = vector.load %arg11[%swap3A, %swap3A_102] : memref<1024x1xf32, #tpu.memory_space<vmem>>, vector<256x1xf32>
      tpu.vector_store %arg11[%swap3A, %swap3A_102], %add3A_101 {strides = array<i32>} : memref<1024x1xf32, #tpu.memory_space<vmem>>, vector<256x1xf32>,
      %swap3A_104 = arith.constant 0 : index
      %swap3A_105 = arith.constant 0 : index
      %swap3A_106 = vector.load %arg10[%swap3A_104, %swap3A_105] : memref<1024x1xf32, #tpu.memory_space<vmem>>, vector<256x1xf32>
      tpu.vector_store %arg10[%swap3A_104, %swap3A_105], %max3A_72 {strides = array<i32>} : memref<1024x1xf32, #tpu.memory_space<vmem>>, vector<256x1xf32>,
      %get3A_107 = arith.constant 256 : index
      %get3A_108 = arith.constant 0 : index
      %get3A_109 = vector.load %arg1[%get3A_107, %get3A_108] : memref<1024x128xbf16, #tpu.memory_space<vmem>>, vector<256x128xbf16>
      %dot_general3A_110 = arith.constant dense<0.000000e+00> : vector<256x4096xf32>
      %dot_general3A_111 = tpu.matmul %get3A_109, %convert_element_type3A_41, %dot_general3A_110 {dimension_numbers = #tpu.dot_dimension_numbers<[1], [1], [0], [0], [0, 0, 1, 0], [], []>, transpose_lhs_hint = false} : vector<256x128xbf16>, vector<4096x128xbf16>, vector<256x4096xf32> -> vector<256x4096xf32>
      %convert_element_type3A_112 = arith.truncf %dot_general3A_111 : vector<256x4096xf32> to vector<256x4096xbf16>
      %iota3A_113 = tpu.iota {dimensions = array<i32: 1>} : vector<1x4096xi32>
      %lt3A_114 = arith.constant 1696 : i32
      %lt3A_115 = vector.broadcast %lt3A_114 : i32 to vector<1x4096xi32>
      %lt3A_116 = arith.cmpi slt, %iota3A_113, %lt3A_115 : vector<1x4096xi32>
      %jit3A_117 = arith.constant -1.000000e+30 : f32
      %convert_element_type3A_118 = arith.truncf %jit3A_117 : f32 to bf16
      %broadcast_in_dim3A_119 = vector.shape_cast %lt3A_116 : vector<1x4096xi1> to vector<1x4096xi1>
      %broadcast_in_dim3A_120 = vector.broadcast %broadcast_in_dim3A_119 : vector<1x4096xi1> to vector<256x4096xi1>
      %broadcast_in_dim3A_121 = vector.broadcast %convert_element_type3A_118 : bf16 to vector<256x4096xbf16>
      %select_n3A_122 = arith.select %broadcast_in_dim3A_120, %convert_element_type3A_112, %broadcast_in_dim3A_121 : vector<256x4096xi1>, vector<256x4096xbf16>
      %slice3A_123 = vector.extract_strided_slice %select_n3A_122 {offsets = [0, 0], sizes = [256, 2048], strides = [1, 1]} : vector<256x4096xbf16> to vector<256x2048xbf16>
      %slice3A_124 = vector.extract_strided_slice %select_n3A_122 {offsets = [0, 2048], sizes = [256, 2048], strides = [1, 1]} : vector<256x4096xbf16> to vector<256x2048xbf16>
      %max3A_125 = arith.maximumf %slice3A_123, %slice3A_124 : vector<256x2048xbf16>
      %slice3A_126 = vector.extract_strided_slice %max3A_125 {offsets = [0, 0], sizes = [256, 1024], strides = [1, 1]} : vector<256x2048xbf16> to vector<256x1024xbf16>
      %slice3A_127 = vector.extract_strided_slice %max3A_125 {offsets = [0, 1024], sizes = [256, 1024], strides = [1, 1]} : vector<256x2048xbf16> to vector<256x1024xbf16>
      %max3A_128 = arith.maximumf %slice3A_126, %slice3A_127 : vector<256x1024xbf16>
      %slice3A_129 = vector.extract_strided_slice %max3A_128 {offsets = [0, 0], sizes = [256, 512], strides = [1, 1]} : vector<256x1024xbf16> to vector<256x512xbf16>
      %slice3A_130 = vector.extract_strided_slice %max3A_128 {offsets = [0, 512], sizes = [256, 512], strides = [1, 1]} : vector<256x1024xbf16> to vector<256x512xbf16>
      %max3A_131 = arith.maximumf %slice3A_129, %slice3A_130 : vector<256x512xbf16>
      %slice3A_132 = vector.extract_strided_slice %max3A_131 {offsets = [0, 0], sizes = [256, 256], strides = [1, 1]} : vector<256x512xbf16> to vector<256x256xbf16>
      %slice3A_133 = vector.extract_strided_slice %max3A_131 {offsets = [0, 256], sizes = [256, 256], strides = [1, 1]} : vector<256x512xbf16> to vector<256x256xbf16>
      %max3A_134 = arith.maximumf %slice3A_132, %slice3A_133 : vector<256x256xbf16>
      %slice3A_135 = vector.extract_strided_slice %max3A_134 {offsets = [0, 0], sizes = [256, 128], strides = [1, 1]} : vector<256x256xbf16> to vector<256x128xbf16>
      %slice3A_136 = vector.extract_strided_slice %max3A_134 {offsets = [0, 128], sizes = [256, 128], strides = [1, 1]} : vector<256x256xbf16> to vector<256x128xbf16>
      %max3A_137 = arith.maximumf %slice3A_135, %slice3A_136 : vector<256x128xbf16>
      %convert_element_type3A_138 = arith.extf %max3A_137 : vector<256x128xbf16> to vector<256x128xf32>
      %reduce_max3A_139 = arith.constant dense<0xFF800000> : vector<256xf32>
      %reduce_max3A_140 = vector.multi_reduction <maximumf>, %convert_element_type3A_138, %reduce_max3A_139 [1] : vector<256x128xf32> to vector<256xf32>
      %broadcast_in_dim3A_141 = vector.shape_cast %reduce_max3A_140 : vector<256xf32> to vector<256x1xf32>
      %get3A_142 = arith.constant 256 : index
      %get3A_143 = arith.constant 0 : index
      %get3A_144 = vector.load %arg10[%get3A_142, %get3A_143] : memref<1024x1xf32, #tpu.memory_space<vmem>>, vector<256x1xf32>
      %max3A_145 = arith.maximumf %get3A_144, %broadcast_in_dim3A_141 : vector<256x1xf32>
      %convert_element_type3A_146 = arith.truncf %max3A_145 : vector<256x1xf32> to vector<256x1xbf16>
      %slice3A_147 = vector.extract_strided_slice %select_n3A_122 {offsets = [0, 0], sizes = [256, 2048], strides = [1, 1]} : vector<256x4096xbf16> to vector<256x2048xbf16>
      %sub3A_148 = vector.broadcast %convert_element_type3A_146 : vector<256x1xbf16> to vector<256x2048xbf16>
      %sub3A_149 = arith.subf %slice3A_147, %sub3A_148 : vector<256x2048xbf16>
      %exp23A_150 = math.exp2 %sub3A_149 : vector<256x2048xbf16>
      %slice3A_151 = vector.extract_strided_slice %select_n3A_122 {offsets = [0, 2048], sizes = [256, 2048], strides = [1, 1]} : vector<256x4096xbf16> to vector<256x2048xbf16>
      %sub3A_152 = vector.broadcast %convert_element_type3A_146 : vector<256x1xbf16> to vector<256x2048xbf16>
      %sub3A_153 = arith.subf %slice3A_151, %sub3A_152 : vector<256x2048xbf16>
      %exp23A_154 = math.exp2 %sub3A_153 : vector<256x2048xbf16>
      %add3A_155 = arith.addf %exp23A_150, %exp23A_154 : vector<256x2048xbf16>
      %slice3A_156 = vector.extract_strided_slice %add3A_155 {offsets = [0, 0], sizes = [256, 1024], strides = [1, 1]} : vector<256x2048xbf16> to vector<256x1024xbf16>
      %slice3A_157 = vector.extract_strided_slice %add3A_155 {offsets = [0, 1024], sizes = [256, 1024], strides = [1, 1]} : vector<256x2048xbf16> to vector<256x1024xbf16>
      %add3A_158 = arith.addf %slice3A_156, %slice3A_157 : vector<256x1024xbf16>
      %slice3A_159 = vector.extract_strided_slice %add3A_158 {offsets = [0, 0], sizes = [256, 512], strides = [1, 1]} : vector<256x1024xbf16> to vector<256x512xbf16>
      %slice3A_160 = vector.extract_strided_slice %add3A_158 {offsets = [0, 512], sizes = [256, 512], strides = [1, 1]} : vector<256x1024xbf16> to vector<256x512xbf16>
      %add3A_161 = arith.addf %slice3A_159, %slice3A_160 : vector<256x512xbf16>
      %slice3A_162 = vector.extract_strided_slice %add3A_161 {offsets = [0, 0], sizes = [256, 256], strides = [1, 1]} : vector<256x512xbf16> to vector<256x256xbf16>
      %slice3A_163 = vector.extract_strided_slice %add3A_161 {offsets = [0, 256], sizes = [256, 256], strides = [1, 1]} : vector<256x512xbf16> to vector<256x256xbf16>
      %add3A_164 = arith.addf %slice3A_162, %slice3A_163 : vector<256x256xbf16>
      %slice3A_165 = vector.extract_strided_slice %add3A_164 {offsets = [0, 0], sizes = [256, 128], strides = [1, 1]} : vector<256x256xbf16> to vector<256x128xbf16>
      %slice3A_166 = vector.extract_strided_slice %add3A_164 {offsets = [0, 128], sizes = [256, 128], strides = [1, 1]} : vector<256x256xbf16> to vector<256x128xbf16>
      %add3A_167 = arith.addf %slice3A_165, %slice3A_166 : vector<256x128xbf16>
      %convert_element_type3A_168 = arith.extf %add3A_167 : vector<256x128xbf16> to vector<256x128xf32>
      %reduce_sum3A_169 = arith.constant dense<0.000000e+00> : vector<256xf32>
      %reduce_sum3A_170 = vector.multi_reduction <add>, %convert_element_type3A_168, %reduce_sum3A_169 [1] : vector<256x128xf32> to vector<256xf32>
      %broadcast_in_dim3A_171 = vector.shape_cast %reduce_sum3A_170 : vector<256xf32> to vector<256x1xf32>
      %get3A_172 = arith.constant 256 : index
      %get3A_173 = arith.constant 0 : index
      %get3A_174 = vector.load %arg11[%get3A_172, %get3A_173] : memref<1024x1xf32, #tpu.memory_space<vmem>>, vector<256x1xf32>
      %sub3A_175 = arith.subf %get3A_144, %max3A_145 : vector<256x1xf32>
      %exp23A_176 = math.exp2 %sub3A_175 : vector<256x1xf32>
      %mul3A_177 = arith.mulf %get3A_174, %exp23A_176 : vector<256x1xf32>
      %add3A_178 = arith.addf %mul3A_177, %broadcast_in_dim3A_171 : vector<256x1xf32>
      %swap3A_179 = arith.constant 256 : index
      %swap3A_180 = arith.constant 0 : index
      %swap3A_181 = vector.load %arg11[%swap3A_179, %swap3A_180] : memref<1024x1xf32, #tpu.memory_space<vmem>>, vector<256x1xf32>
      tpu.vector_store %arg11[%swap3A_179, %swap3A_180], %add3A_178 {strides = array<i32>} : memref<1024x1xf32, #tpu.memory_space<vmem>>, vector<256x1xf32>,
      %swap3A_182 = arith.constant 256 : index
      %swap3A_183 = arith.constant 0 : index
      %swap3A_184 = vector.load %arg10[%swap3A_182, %swap3A_183] : memref<1024x1xf32, #tpu.memory_space<vmem>>, vector<256x1xf32>
      tpu.vector_store %arg10[%swap3A_182, %swap3A_183], %max3A_145 {strides = array<i32>} : memref<1024x1xf32, #tpu.memory_space<vmem>>, vector<256x1xf32>,
      %get3A_185 = arith.constant 512 : index
      %get3A_186 = arith.constant 0 : index
      %get3A_187 = vector.load %arg1[%get3A_185, %get3A_186] : memref<1024x128xbf16, #tpu.memory_space<vmem>>, vector<256x128xbf16>
      %dot_general3A_188 = arith.constant dense<0.000000e+00> : vector<256x4096xf32>
      %dot_general3A_189 = tpu.matmul %get3A_187, %convert_element_type3A_41, %dot_general3A_188 {dimension_numbers = #tpu.dot_dimension_numbers<[1], [1], [0], [0], [0, 0, 1, 0], [], []>, transpose_lhs_hint = false} : vector<256x128xbf16>, vector<4096x128xbf16>, vector<256x4096xf32> -> vector<256x4096xf32>
      %convert_element_type3A_190 = arith.truncf %dot_general3A_189 : vector<256x4096xf32> to vector<256x4096xbf16>
      %iota3A_191 = tpu.iota {dimensions = array<i32: 1>} : vector<1x4096xi32>
      %lt3A_192 = arith.constant 1696 : i32
      %lt3A_193 = vector.broadcast %lt3A_192 : i32 to vector<1x4096xi32>
      %lt3A_194 = arith.cmpi slt, %iota3A_191, %lt3A_193 : vector<1x4096xi32>
      %jit3A_195 = arith.constant -1.000000e+30 : f32
      %convert_element_type3A_196 = arith.truncf %jit3A_195 : f32 to bf16
      %broadcast_in_dim3A_197 = vector.shape_cast %lt3A_194 : vector<1x4096xi1> to vector<1x4096xi1>
      %broadcast_in_dim3A_198 = vector.broadcast %broadcast_in_dim3A_197 : vector<1x4096xi1> to vector<256x4096xi1>
      %broadcast_in_dim3A_199 = vector.broadcast %convert_element_type3A_196 : bf16 to vector<256x4096xbf16>
      %select_n3A_200 = arith.select %broadcast_in_dim3A_198, %convert_element_type3A_190, %broadcast_in_dim3A_199 : vector<256x4096xi1>, vector<256x4096xbf16>
      %slice3A_201 = vector.extract_strided_slice %select_n3A_200 {offsets = [0, 0], sizes = [256, 2048], strides = [1, 1]} : vector<256x4096xbf16> to vector<256x2048xbf16>
      %slice3A_202 = vector.extract_strided_slice %select_n3A_200 {offsets = [0, 2048], sizes = [256, 2048], strides = [1, 1]} : vector<256x4096xbf16> to vector<256x2048xbf16>
      %max3A_203 = arith.maximumf %slice3A_201, %slice3A_202 : vector<256x2048xbf16>
      %slice3A_204 = vector.extract_strided_slice %max3A_203 {offsets = [0, 0], sizes = [256, 1024], strides = [1, 1]} : vector<256x2048xbf16> to vector<256x1024xbf16>
      %slice3A_205 = vector.extract_strided_slice %max3A_203 {offsets = [0, 1024], sizes = [256, 1024], strides = [1, 1]} : vector<256x2048xbf16> to vector<256x1024xbf16>
      %max3A_206 = arith.maximumf %slice3A_204, %slice3A_205 : vector<256x1024xbf16>
      %slice3A_207 = vector.extract_strided_slice %max3A_206 {offsets = [0, 0], sizes = [256, 512], strides = [1, 1]} : vector<256x1024xbf16> to vector<256x512xbf16>
      %slice3A_208 = vector.extract_strided_slice %max3A_206 {offsets = [0, 512], sizes = [256, 512], strides = [1, 1]} : vector<256x1024xbf16> to vector<256x512xbf16>
      %max3A_209 = arith.maximumf %slice3A_207, %slice3A_208 : vector<256x512xbf16>
      %slice3A_210 = vector.extract_strided_slice %max3A_209 {offsets = [0, 0], sizes = [256, 256], strides = [1, 1]} : vector<256x512xbf16> to vector<256x256xbf16>
      %slice3A_211 = vector.extract_strided_slice %max3A_209 {offsets = [0, 256], sizes = [256, 256], strides = [1, 1]} : vector<256x512xbf16> to vector<256x256xbf16>
      %max3A_212 = arith.maximumf %slice3A_210, %slice3A_211 : vector<256x256xbf16>
      %slice3A_213 = vector.extract_strided_slice %max3A_212 {offsets = [0, 0], sizes = [256, 128], strides = [1, 1]} : vector<256x256xbf16> to vector<256x128xbf16>
      %slice3A_214 = vector.extract_strided_slice %max3A_212 {offsets = [0, 128], sizes = [256, 128], strides = [1, 1]} : vector<256x256xbf16> to vector<256x128xbf16>
      %max3A_215 = arith.maximumf %slice3A_213, %slice3A_214 : vector<256x128xbf16>
      %convert_element_type3A_216 = arith.extf %max3A_215 : vector<256x128xbf16> to vector<256x128xf32>
      %reduce_max3A_217 = arith.constant dense<0xFF800000> : vector<256xf32>
      %reduce_max3A_218 = vector.multi_reduction <maximumf>, %convert_element_type3A_216, %reduce_max3A_217 [1] : vector<256x128xf32> to vector<256xf32>
      %broadcast_in_dim3A_219 = vector.shape_cast %reduce_max3A_218 : vector<256xf32> to vector<256x1xf32>
      %get3A_220 = arith.constant 512 : index
      %get3A_221 = arith.constant 0 : index
      %get3A_222 = vector.load %arg10[%get3A_220, %get3A_221] : memref<1024x1xf32, #tpu.memory_space<vmem>>, vector<256x1xf32>
      %max3A_223 = arith.maximumf %get3A_222, %broadcast_in_dim3A_219 : vector<256x1xf32>
      %convert_element_type3A_224 = arith.truncf %max3A_223 : vector<256x1xf32> to vector<256x1xbf16>
      %slice3A_225 = vector.extract_strided_slice %select_n3A_200 {offsets = [0, 0], sizes = [256, 2048], strides = [1, 1]} : vector<256x4096xbf16> to vector<256x2048xbf16>
      %sub3A_226 = vector.broadcast %convert_element_type3A_224 : vector<256x1xbf16> to vector<256x2048xbf16>
      %sub3A_227 = arith.subf %slice3A_225, %sub3A_226 : vector<256x2048xbf16>
      %exp23A_228 = math.exp2 %sub3A_227 : vector<256x2048xbf16>
      %slice3A_229 = vector.extract_strided_slice %select_n3A_200 {offsets = [0, 2048], sizes = [256, 2048], strides = [1, 1]} : vector<256x4096xbf16> to vector<256x2048xbf16>
      %sub3A_230 = vector.broadcast %convert_element_type3A_224 : vector<256x1xbf16> to vector<256x2048xbf16>
      %sub3A_231 = arith.subf %slice3A_229, %sub3A_230 : vector<256x2048xbf16>
      %exp23A_232 = math.exp2 %sub3A_231 : vector<256x2048xbf16>
      %add3A_233 = arith.addf %exp23A_228, %exp23A_232 : vector<256x2048xbf16>
      %slice3A_234 = vector.extract_strided_slice %add3A_233 {offsets = [0, 0], sizes = [256, 1024], strides = [1, 1]} : vector<256x2048xbf16> to vector<256x1024xbf16>
      %slice3A_235 = vector.extract_strided_slice %add3A_233 {offsets = [0, 1024], sizes = [256, 1024], strides = [1, 1]} : vector<256x2048xbf16> to vector<256x1024xbf16>
      %add3A_236 = arith.addf %slice3A_234, %slice3A_235 : vector<256x1024xbf16>
      %slice3A_237 = vector.extract_strided_slice %add3A_236 {offsets = [0, 0], sizes = [256, 512], strides = [1, 1]} : vector<256x1024xbf16> to vector<256x512xbf16>
      %slice3A_238 = vector.extract_strided_slice %add3A_236 {offsets = [0, 512], sizes = [256, 512], strides = [1, 1]} : vector<256x1024xbf16> to vector<256x512xbf16>
      %add3A_239 = arith.addf %slice3A_237, %slice3A_238 : vector<256x512xbf16>
      %slice3A_240 = vector.extract_strided_slice %add3A_239 {offsets = [0, 0], sizes = [256, 256], strides = [1, 1]} : vector<256x512xbf16> to vector<256x256xbf16>
      %slice3A_241 = vector.extract_strided_slice %add3A_239 {offsets = [0, 256], sizes = [256, 256], strides = [1, 1]} : vector<256x512xbf16> to vector<256x256xbf16>
      %add3A_242 = arith.addf %slice3A_240, %slice3A_241 : vector<256x256xbf16>
      %slice3A_243 = vector.extract_strided_slice %add3A_242 {offsets = [0, 0], sizes = [256, 128], strides = [1, 1]} : vector<256x256xbf16> to vector<256x128xbf16>
      %slice3A_244 = vector.extract_strided_slice %add3A_242 {offsets = [0, 128], sizes = [256, 128], strides = [1, 1]} : vector<256x256xbf16> to vector<256x128xbf16>
      %add3A_245 = arith.addf %slice3A_243, %slice3A_244 : vector<256x128xbf16>
      %convert_element_type3A_246 = arith.extf %add3A_245 : vector<256x128xbf16> to vector<256x128xf32>
      %reduce_sum3A_247 = arith.constant dense<0.000000e+00> : vector<256xf32>
      %reduce_sum3A_248 = vector.multi_reduction <add>, %convert_element_type3A_246, %reduce_sum3A_247 [1] : vector<256x128xf32> to vector<256xf32>
      %broadcast_in_dim3A_249 = vector.shape_cast %reduce_sum3A_248 : vector<256xf32> to vector<256x1xf32>
      %get3A_250 = arith.constant 512 : index
      %get3A_251 = arith.constant 0 : index
      %get3A_252 = vector.load %arg11[%get3A_250, %get3A_251] : memref<1024x1xf32, #tpu.memory_space<vmem>>, vector<256x1xf32>
      %sub3A_253 = arith.subf %get3A_222, %max3A_223 : vector<256x1xf32>
      %exp23A_254 = math.exp2 %sub3A_253 : vector<256x1xf32>
      %mul3A_255 = arith.mulf %get3A_252, %exp23A_254 : vector<256x1xf32>
      %add3A_256 = arith.addf %mul3A_255, %broadcast_in_dim3A_249 : vector<256x1xf32>
      %swap3A_257 = arith.constant 512 : index
      %swap3A_258 = arith.constant 0 : index
      %swap3A_259 = vector.load %arg11[%swap3A_257, %swap3A_258] : memref<1024x1xf32, #tpu.memory_space<vmem>>, vector<256x1xf32>
      tpu.vector_store %arg11[%swap3A_257, %swap3A_258], %add3A_256 {strides = array<i32>} : memref<1024x1xf32, #tpu.memory_space<vmem>>, vector<256x1xf32>,
      %swap3A_260 = arith.constant 512 : index
      %swap3A_261 = arith.constant 0 : index
      %swap3A_262 = vector.load %arg10[%swap3A_260, %swap3A_261] : memref<1024x1xf32, #tpu.memory_space<vmem>>, vector<256x1xf32>
      tpu.vector_store %arg10[%swap3A_260, %swap3A_261], %max3A_223 {strides = array<i32>} : memref<1024x1xf32, #tpu.memory_space<vmem>>, vector<256x1xf32>,
      %get3A_263 = arith.constant 768 : index
      %get3A_264 = arith.constant 0 : index
      %get3A_265 = vector.load %arg1[%get3A_263, %get3A_264] : memref<1024x128xbf16, #tpu.memory_space<vmem>>, vector<256x128xbf16>
      %dot_general3A_266 = arith.constant dense<0.000000e+00> : vector<256x4096xf32>
      %dot_general3A_267 = tpu.matmul %get3A_265, %convert_element_type3A_41, %dot_general3A_266 {dimension_numbers = #tpu.dot_dimension_numbers<[1], [1], [0], [0], [0, 0, 1, 0], [], []>, transpose_lhs_hint = false} : vector<256x128xbf16>, vector<4096x128xbf16>, vector<256x4096xf32> -> vector<256x4096xf32>
      %convert_element_type3A_268 = arith.truncf %dot_general3A_267 : vector<256x4096xf32> to vector<256x4096xbf16>
      %iota3A_269 = tpu.iota {dimensions = array<i32: 1>} : vector<1x4096xi32>
      %lt3A_270 = arith.constant 1696 : i32
      %lt3A_271 = vector.broadcast %lt3A_270 : i32 to vector<1x4096xi32>
      %lt3A_272 = arith.cmpi slt, %iota3A_269, %lt3A_271 : vector<1x4096xi32>
      %jit3A_273 = arith.constant -1.000000e+30 : f32
      %convert_element_type3A_274 = arith.truncf %jit3A_273 : f32 to bf16
      %broadcast_in_dim3A_275 = vector.shape_cast %lt3A_272 : vector<1x4096xi1> to vector<1x4096xi1>
      %broadcast_in_dim3A_276 = vector.broadcast %broadcast_in_dim3A_275 : vector<1x4096xi1> to vector<256x4096xi1>
      %broadcast_in_dim3A_277 = vector.broadcast %convert_element_type3A_274 : bf16 to vector<256x4096xbf16>
      %select_n3A_278 = arith.select %broadcast_in_dim3A_276, %convert_element_type3A_268, %broadcast_in_dim3A_277 : vector<256x4096xi1>, vector<256x4096xbf16>
      %slice3A_279 = vector.extract_strided_slice %select_n3A_278 {offsets = [0, 0], sizes = [256, 2048], strides = [1, 1]} : vector<256x4096xbf16> to vector<256x2048xbf16>
      %slice3A_280 = vector.extract_strided_slice %select_n3A_278 {offsets = [0, 2048], sizes = [256, 2048], strides = [1, 1]} : vector<256x4096xbf16> to vector<256x2048xbf16>
      %max3A_281 = arith.maximumf %slice3A_279, %slice3A_280 : vector<256x2048xbf16>
      %slice3A_282 = vector.extract_strided_slice %max3A_281 {offsets = [0, 0], sizes = [256, 1024], strides = [1, 1]} : vector<256x2048xbf16> to vector<256x1024xbf16>
      %slice3A_283 = vector.extract_strided_slice %max3A_281 {offsets = [0, 1024], sizes = [256, 1024], strides = [1, 1]} : vector<256x2048xbf16> to vector<256x1024xbf16>
      %max3A_284 = arith.maximumf %slice3A_282, %slice3A_283 : vector<256x1024xbf16>
      %slice3A_285 = vector.extract_strided_slice %max3A_284 {offsets = [0, 0], sizes = [256, 512], strides = [1, 1]} : vector<256x1024xbf16> to vector<256x512xbf16>
      %slice3A_286 = vector.extract_strided_slice %max3A_284 {offsets = [0, 512], sizes = [256, 512], strides = [1, 1]} : vector<256x1024xbf16> to vector<256x512xbf16>
      %max3A_287 = arith.maximumf %slice3A_285, %slice3A_286 : vector<256x512xbf16>
      %slice3A_288 = vector.extract_strided_slice %max3A_287 {offsets = [0, 0], sizes = [256, 256], strides = [1, 1]} : vector<256x512xbf16> to vector<256x256xbf16>
      %slice3A_289 = vector.extract_strided_slice %max3A_287 {offsets = [0, 256], sizes = [256, 256], strides = [1, 1]} : vector<256x512xbf16> to vector<256x256xbf16>
      %max3A_290 = arith.maximumf %slice3A_288, %slice3A_289 : vector<256x256xbf16>
      %slice3A_291 = vector.extract_strided_slice %max3A_290 {offsets = [0, 0], sizes = [256, 128], strides = [1, 1]} : vector<256x256xbf16> to vector<256x128xbf16>
      %slice3A_292 = vector.extract_strided_slice %max3A_290 {offsets = [0, 128], sizes = [256, 128], strides = [1, 1]} : vector<256x256xbf16> to vector<256x128xbf16>
      %max3A_293 = arith.maximumf %slice3A_291, %slice3A_292 : vector<256x128xbf16>
      %convert_element_type3A_294 = arith.extf %max3A_293 : vector<256x128xbf16> to vector<256x128xf32>
      %reduce_max3A_295 = arith.constant dense<0xFF800000> : vector<256xf32>
      %reduce_max3A_296 = vector.multi_reduction <maximumf>, %convert_element_type3A_294, %reduce_max3A_295 [1] : vector<256x128xf32> to vector<256xf32>
      %broadcast_in_dim3A_297 = vector.shape_cast %reduce_max3A_296 : vector<256xf32> to vector<256x1xf32>
      %get3A_298 = arith.constant 768 : index
      %get3A_299 = arith.constant 0 : index
      %get3A_300 = vector.load %arg10[%get3A_298, %get3A_299] : memref<1024x1xf32, #tpu.memory_space<vmem>>, vector<256x1xf32>
      %max3A_301 = arith.maximumf %get3A_300, %broadcast_in_dim3A_297 : vector<256x1xf32>
      %convert_element_type3A_302 = arith.truncf %max3A_301 : vector<256x1xf32> to vector<256x1xbf16>
      %slice3A_303 = vector.extract_strided_slice %select_n3A_278 {offsets = [0, 0], sizes = [256, 2048], strides = [1, 1]} : vector<256x4096xbf16> to vector<256x2048xbf16>
      %sub3A_304 = vector.broadcast %convert_element_type3A_302 : vector<256x1xbf16> to vector<256x2048xbf16>
      %sub3A_305 = arith.subf %slice3A_303, %sub3A_304 : vector<256x2048xbf16>
      %exp23A_306 = math.exp2 %sub3A_305 : vector<256x2048xbf16>
      %slice3A_307 = vector.extract_strided_slice %select_n3A_278 {offsets = [0, 2048], sizes = [256, 2048], strides = [1, 1]} : vector<256x4096xbf16> to vector<256x2048xbf16>
      %sub3A_308 = vector.broadcast %convert_element_type3A_302 : vector<256x1xbf16> to vector<256x2048xbf16>
      %sub3A_309 = arith.subf %slice3A_307, %sub3A_308 : vector<256x2048xbf16>
      %exp23A_310 = math.exp2 %sub3A_309 : vector<256x2048xbf16>
      %add3A_311 = arith.addf %exp23A_306, %exp23A_310 : vector<256x2048xbf16>
      %slice3A_312 = vector.extract_strided_slice %add3A_311 {offsets = [0, 0], sizes = [256, 1024], strides = [1, 1]} : vector<256x2048xbf16> to vector<256x1024xbf16>
      %slice3A_313 = vector.extract_strided_slice %add3A_311 {offsets = [0, 1024], sizes = [256, 1024], strides = [1, 1]} : vector<256x2048xbf16> to vector<256x1024xbf16>
      %add3A_314 = arith.addf %slice3A_312, %slice3A_313 : vector<256x1024xbf16>
      %slice3A_315 = vector.extract_strided_slice %add3A_314 {offsets = [0, 0], sizes = [256, 512], strides = [1, 1]} : vector<256x1024xbf16> to vector<256x512xbf16>
      %slice3A_316 = vector.extract_strided_slice %add3A_314 {offsets = [0, 512], sizes = [256, 512], strides = [1, 1]} : vector<256x1024xbf16> to vector<256x512xbf16>
      %add3A_317 = arith.addf %slice3A_315, %slice3A_316 : vector<256x512xbf16>
      %slice3A_318 = vector.extract_strided_slice %add3A_317 {offsets = [0, 0], sizes = [256, 256], strides = [1, 1]} : vector<256x512xbf16> to vector<256x256xbf16>
      %slice3A_319 = vector.extract_strided_slice %add3A_317 {offsets = [0, 256], sizes = [256, 256], strides = [1, 1]} : vector<256x512xbf16> to vector<256x256xbf16>
      %add3A_320 = arith.addf %slice3A_318, %slice3A_319 : vector<256x256xbf16>
      %slice3A_321 = vector.extract_strided_slice %add3A_320 {offsets = [0, 0], sizes = [256, 128], strides = [1, 1]} : vector<256x256xbf16> to vector<256x128xbf16>
      %slice3A_322 = vector.extract_strided_slice %add3A_320 {offsets = [0, 128], sizes = [256, 128], strides = [1, 1]} : vector<256x256xbf16> to vector<256x128xbf16>
      %add3A_323 = arith.addf %slice3A_321, %slice3A_322 : vector<256x128xbf16>
      %convert_element_type3A_324 = arith.extf %add3A_323 : vector<256x128xbf16> to vector<256x128xf32>
      %reduce_sum3A_325 = arith.constant dense<0.000000e+00> : vector<256xf32>
      %reduce_sum3A_326 = vector.multi_reduction <add>, %convert_element_type3A_324, %reduce_sum3A_325 [1] : vector<256x128xf32> to vector<256xf32>
      %broadcast_in_dim3A_327 = vector.shape_cast %reduce_sum3A_326 : vector<256xf32> to vector<256x1xf32>
      %get3A_328 = arith.constant 768 : index
      %get3A_329 = arith.constant 0 : index
      %get3A_330 = vector.load %arg11[%get3A_328, %get3A_329] : memref<1024x1xf32, #tpu.memory_space<vmem>>, vector<256x1xf32>
      %sub3A_331 = arith.subf %get3A_300, %max3A_301 : vector<256x1xf32>
      %exp23A_332 = math.exp2 %sub3A_331 : vector<256x1xf32>
      %mul3A_333 = arith.mulf %get3A_330, %exp23A_332 : vector<256x1xf32>
      %add3A_334 = arith.addf %mul3A_333, %broadcast_in_dim3A_327 : vector<256x1xf32>
      %swap3A_335 = arith.constant 768 : index
      %swap3A_336 = arith.constant 0 : index
      %swap3A_337 = vector.load %arg11[%swap3A_335, %swap3A_336] : memref<1024x1xf32, #tpu.memory_space<vmem>>, vector<256x1xf32>
      tpu.vector_store %arg11[%swap3A_335, %swap3A_336], %add3A_334 {strides = array<i32>} : memref<1024x1xf32, #tpu.memory_space<vmem>>, vector<256x1xf32>,
      %swap3A_338 = arith.constant 768 : index
      %swap3A_339 = arith.constant 0 : index
      %swap3A_340 = vector.load %arg10[%swap3A_338, %swap3A_339] : memref<1024x1xf32, #tpu.memory_space<vmem>>, vector<256x1xf32>
      tpu.vector_store %arg10[%swap3A_338, %swap3A_339], %max3A_301 {strides = array<i32>} : memref<1024x1xf32, #tpu.memory_space<vmem>>, vector<256x1xf32>,
    } else {
    }
    %ge3A = arith.constant 25 : i32
    %ge3A_11 = arith.cmpi sge, %arg0, %ge3A : i32
    %lt3A_12 = arith.constant 26 : i32
    %lt3A_13 = arith.cmpi slt, %arg0, %lt3A_12 : i32
    %and3A = arith.andi %ge3A_11, %lt3A_13 : i1
    %convert_element_type3A_14 = arith.extui %and3A : i1 to i32
    %cond3A_15 = arith.constant 0 : i32
    %cond3A_16 = arith.cmpi ne, %convert_element_type3A_14, %cond3A_15 : i32
    scf.if %cond3A_16 {
      %get3A = arith.constant 0 : index
      %get3A_27 = arith.constant 0 : index
      %get3A_28 = arith.constant 0 : index
      %get3A_29 = vector.load %arg4[%get3A, %get3A_27, %get3A_28] : memref<1x4096x1xf32, #tpu.memory_space<vmem>>, vector<1x4096x1xf32>
      %get3A_30 = vector.shape_cast %get3A_29 : vector<1x4096x1xf32> to vector<4096x1xf32>
      %mul3A = arith.constant -0.00999999977 : f32
      %mul3A_31 = vector.broadcast %mul3A : f32 to vector<4096x1xf32>
      %mul3A_32 = arith.mulf %mul3A_31, %get3A_30 : vector<4096x1xf32>
      %exp3A = math.exp %mul3A_32 : vector<4096x1xf32>
      %mul3A_33 = arith.constant 43.2808495 : f32
      %mul3A_34 = vector.broadcast %mul3A_33 : f32 to vector<4096x1xf32>
      %mul3A_35 = arith.mulf %exp3A, %mul3A_34 : vector<4096x1xf32>
      %get3A_36 = arith.constant 0 : index
      %get3A_37 = arith.constant 0 : index
      %get3A_38 = vector.load %arg3[%get3A_36, %get3A_37] : memref<4096x128xf32, #tpu.memory_space<vmem>>, vector<4096x128xf32>
      %mul3A_39 = vector.broadcast %mul3A_35 : vector<4096x1xf32> to vector<4096x128xf32>
      %mul3A_40 = arith.mulf %get3A_38, %mul3A_39 : vector<4096x128xf32>
      %convert_element_type3A_41 = arith.truncf %mul3A_40 : vector<4096x128xf32> to vector<4096x128xbf16>
      %get3A_42 = arith.constant 0 : index
      %get3A_43 = arith.constant 0 : index
      %get3A_44 = vector.load %arg1[%get3A_42, %get3A_43] : memref<1024x128xbf16, #tpu.memory_space<vmem>>, vector<256x128xbf16>
      %dot_general3A = arith.constant dense<0.000000e+00> : vector<256x4096xf32>
      %dot_general3A_45 = tpu.matmul %get3A_44, %convert_element_type3A_41, %dot_general3A {dimension_numbers = #tpu.dot_dimension_numbers<[1], [1], [0], [0], [0, 0, 1, 0], [], []>, transpose_lhs_hint = false} : vector<256x128xbf16>, vector<4096x128xbf16>, vector<256x4096xf32> -> vector<256x4096xf32>
      %convert_element_type3A_46 = arith.truncf %dot_general3A_45 : vector<256x4096xf32> to vector<256x4096xbf16>
      %slice3A = vector.extract_strided_slice %convert_element_type3A_46 {offsets = [0, 0], sizes = [256, 2048], strides = [1, 1]} : vector<256x4096xbf16> to vector<256x2048xbf16>
      %slice3A_47 = vector.extract_strided_slice %convert_element_type3A_46 {offsets = [0, 2048], sizes = [256, 2048], strides = [1, 1]} : vector<256x4096xbf16> to vector<256x2048xbf16>
      %max3A = arith.maximumf %slice3A, %slice3A_47 : vector<256x2048xbf16>
      %slice3A_48 = vector.extract_strided_slice %max3A {offsets = [0, 0], sizes = [256, 1024], strides = [1, 1]} : vector<256x2048xbf16> to vector<256x1024xbf16>
      %slice3A_49 = vector.extract_strided_slice %max3A {offsets = [0, 1024], sizes = [256, 1024], strides = [1, 1]} : vector<256x2048xbf16> to vector<256x1024xbf16>
      %max3A_50 = arith.maximumf %slice3A_48, %slice3A_49 : vector<256x1024xbf16>
      %slice3A_51 = vector.extract_strided_slice %max3A_50 {offsets = [0, 0], sizes = [256, 512], strides = [1, 1]} : vector<256x1024xbf16> to vector<256x512xbf16>
      %slice3A_52 = vector.extract_strided_slice %max3A_50 {offsets = [0, 512], sizes = [256, 512], strides = [1, 1]} : vector<256x1024xbf16> to vector<256x512xbf16>
      %max3A_53 = arith.maximumf %slice3A_51, %slice3A_52 : vector<256x512xbf16>
      %slice3A_54 = vector.extract_strided_slice %max3A_53 {offsets = [0, 0], sizes = [256, 256], strides = [1, 1]} : vector<256x512xbf16> to vector<256x256xbf16>
      %slice3A_55 = vector.extract_strided_slice %max3A_53 {offsets = [0, 256], sizes = [256, 256], strides = [1, 1]} : vector<256x512xbf16> to vector<256x256xbf16>
      %max3A_56 = arith.maximumf %slice3A_54, %slice3A_55 : vector<256x256xbf16>
      %slice3A_57 = vector.extract_strided_slice %max3A_56 {offsets = [0, 0], sizes = [256, 128], strides = [1, 1]} : vector<256x256xbf16> to vector<256x128xbf16>
      %slice3A_58 = vector.extract_strided_slice %max3A_56 {offsets = [0, 128], sizes = [256, 128], strides = [1, 1]} : vector<256x256xbf16> to vector<256x128xbf16>
      %max3A_59 = arith.maximumf %slice3A_57, %slice3A_58 : vector<256x128xbf16>
      %convert_element_type3A_60 = arith.extf %max3A_59 : vector<256x128xbf16> to vector<256x128xf32>
      %reduce_max3A = arith.constant dense<0xFF800000> : vector<256xf32>
      %reduce_max3A_61 = vector.multi_reduction <maximumf>, %convert_element_type3A_60, %reduce_max3A [1] : vector<256x128xf32> to vector<256xf32>
      %broadcast_in_dim3A = vector.shape_cast %reduce_max3A_61 : vector<256xf32> to vector<256x1xf32>
      %get3A_62 = arith.constant 0 : index
      %get3A_63 = arith.constant 0 : index
      %get3A_64 = vector.load %arg10[%get3A_62, %get3A_63] : memref<1024x1xf32, #tpu.memory_space<vmem>>, vector<256x1xf32>
      %max3A_65 = arith.maximumf %get3A_64, %broadcast_in_dim3A : vector<256x1xf32>
      %convert_element_type3A_66 = arith.truncf %max3A_65 : vector<256x1xf32> to vector<256x1xbf16>
      %slice3A_67 = vector.extract_strided_slice %convert_element_type3A_46 {offsets = [0, 0], sizes = [256, 2048], strides = [1, 1]} : vector<256x4096xbf16> to vector<256x2048xbf16>
      %sub3A = vector.broadcast %convert_element_type3A_66 : vector<256x1xbf16> to vector<256x2048xbf16>
      %sub3A_68 = arith.subf %slice3A_67, %sub3A : vector<256x2048xbf16>
      %exp23A = math.exp2 %sub3A_68 : vector<256x2048xbf16>
      %slice3A_69 = vector.extract_strided_slice %convert_element_type3A_46 {offsets = [0, 2048], sizes = [256, 2048], strides = [1, 1]} : vector<256x4096xbf16> to vector<256x2048xbf16>
      %sub3A_70 = vector.broadcast %convert_element_type3A_66 : vector<256x1xbf16> to vector<256x2048xbf16>
      %sub3A_71 = arith.subf %slice3A_69, %sub3A_70 : vector<256x2048xbf16>
      %exp23A_72 = math.exp2 %sub3A_71 : vector<256x2048xbf16>
      %add3A = arith.addf %exp23A, %exp23A_72 : vector<256x2048xbf16>
      %slice3A_73 = vector.extract_strided_slice %add3A {offsets = [0, 0], sizes = [256, 1024], strides = [1, 1]} : vector<256x2048xbf16> to vector<256x1024xbf16>
      %slice3A_74 = vector.extract_strided_slice %add3A {offsets = [0, 1024], sizes = [256, 1024], strides = [1, 1]} : vector<256x2048xbf16> to vector<256x1024xbf16>
      %add3A_75 = arith.addf %slice3A_73, %slice3A_74 : vector<256x1024xbf16>
      %slice3A_76 = vector.extract_strided_slice %add3A_75 {offsets = [0, 0], sizes = [256, 512], strides = [1, 1]} : vector<256x1024xbf16> to vector<256x512xbf16>
      %slice3A_77 = vector.extract_strided_slice %add3A_75 {offsets = [0, 512], sizes = [256, 512], strides = [1, 1]} : vector<256x1024xbf16> to vector<256x512xbf16>
      %add3A_78 = arith.addf %slice3A_76, %slice3A_77 : vector<256x512xbf16>
      %slice3A_79 = vector.extract_strided_slice %add3A_78 {offsets = [0, 0], sizes = [256, 256], strides = [1, 1]} : vector<256x512xbf16> to vector<256x256xbf16>
      %slice3A_80 = vector.extract_strided_slice %add3A_78 {offsets = [0, 256], sizes = [256, 256], strides = [1, 1]} : vector<256x512xbf16> to vector<256x256xbf16>
      %add3A_81 = arith.addf %slice3A_79, %slice3A_80 : vector<256x256xbf16>
      %slice3A_82 = vector.extract_strided_slice %add3A_81 {offsets = [0, 0], sizes = [256, 128], strides = [1, 1]} : vector<256x256xbf16> to vector<256x128xbf16>
      %slice3A_83 = vector.extract_strided_slice %add3A_81 {offsets = [0, 128], sizes = [256, 128], strides = [1, 1]} : vector<256x256xbf16> to vector<256x128xbf16>
      %add3A_84 = arith.addf %slice3A_82, %slice3A_83 : vector<256x128xbf16>
      %convert_element_type3A_85 = arith.extf %add3A_84 : vector<256x128xbf16> to vector<256x128xf32>
      %reduce_sum3A = arith.constant dense<0.000000e+00> : vector<256xf32>
      %reduce_sum3A_86 = vector.multi_reduction <add>, %convert_element_type3A_85, %reduce_sum3A [1] : vector<256x128xf32> to vector<256xf32>
      %broadcast_in_dim3A_87 = vector.shape_cast %reduce_sum3A_86 : vector<256xf32> to vector<256x1xf32>
      %get3A_88 = arith.constant 0 : index
      %get3A_89 = arith.constant 0 : index
      %get3A_90 = vector.load %arg11[%get3A_88, %get3A_89] : memref<1024x1xf32, #tpu.memory_space<vmem>>, vector<256x1xf32>
      %sub3A_91 = arith.subf %get3A_64, %max3A_65 : vector<256x1xf32>
      %exp23A_92 = math.exp2 %sub3A_91 : vector<256x1xf32>
      %mul3A_93 = arith.mulf %get3A_90, %exp23A_92 : vector<256x1xf32>
      %add3A_94 = arith.addf %mul3A_93, %broadcast_in_dim3A_87 : vector<256x1xf32>
      %swap3A = arith.constant 0 : index
      %swap3A_95 = arith.constant 0 : index
      %swap3A_96 = vector.load %arg11[%swap3A, %swap3A_95] : memref<1024x1xf32, #tpu.memory_space<vmem>>, vector<256x1xf32>
      tpu.vector_store %arg11[%swap3A, %swap3A_95], %add3A_94 {strides = array<i32>} : memref<1024x1xf32, #tpu.memory_space<vmem>>, vector<256x1xf32>,
      %swap3A_97 = arith.constant 0 : index
      %swap3A_98 = arith.constant 0 : index
      %swap3A_99 = vector.load %arg10[%swap3A_97, %swap3A_98] : memref<1024x1xf32, #tpu.memory_space<vmem>>, vector<256x1xf32>
      tpu.vector_store %arg10[%swap3A_97, %swap3A_98], %max3A_65 {strides = array<i32>} : memref<1024x1xf32, #tpu.memory_space<vmem>>, vector<256x1xf32>,
      %get3A_100 = arith.constant 256 : index
      %get3A_101 = arith.constant 0 : index
      %get3A_102 = vector.load %arg1[%get3A_100, %get3A_101] : memref<1024x128xbf16, #tpu.memory_space<vmem>>, vector<256x128xbf16>
      %dot_general3A_103 = arith.constant dense<0.000000e+00> : vector<256x4096xf32>
      %dot_general3A_104 = tpu.matmul %get3A_102, %convert_element_type3A_41, %dot_general3A_103 {dimension_numbers = #tpu.dot_dimension_numbers<[1], [1], [0], [0], [0, 0, 1, 0], [], []>, transpose_lhs_hint = false} : vector<256x128xbf16>, vector<4096x128xbf16>, vector<256x4096xf32> -> vector<256x4096xf32>
      %convert_element_type3A_105 = arith.truncf %dot_general3A_104 : vector<256x4096xf32> to vector<256x4096xbf16>
      %slice3A_106 = vector.extract_strided_slice %convert_element_type3A_105 {offsets = [0, 0], sizes = [256, 2048], strides = [1, 1]} : vector<256x4096xbf16> to vector<256x2048xbf16>
      %slice3A_107 = vector.extract_strided_slice %convert_element_type3A_105 {offsets = [0, 2048], sizes = [256, 2048], strides = [1, 1]} : vector<256x4096xbf16> to vector<256x2048xbf16>
      %max3A_108 = arith.maximumf %slice3A_106, %slice3A_107 : vector<256x2048xbf16>
      %slice3A_109 = vector.extract_strided_slice %max3A_108 {offsets = [0, 0], sizes = [256, 1024], strides = [1, 1]} : vector<256x2048xbf16> to vector<256x1024xbf16>
      %slice3A_110 = vector.extract_strided_slice %max3A_108 {offsets = [0, 1024], sizes = [256, 1024], strides = [1, 1]} : vector<256x2048xbf16> to vector<256x1024xbf16>
      %max3A_111 = arith.maximumf %slice3A_109, %slice3A_110 : vector<256x1024xbf16>
      %slice3A_112 = vector.extract_strided_slice %max3A_111 {offsets = [0, 0], sizes = [256, 512], strides = [1, 1]} : vector<256x1024xbf16> to vector<256x512xbf16>
      %slice3A_113 = vector.extract_strided_slice %max3A_111 {offsets = [0, 512], sizes = [256, 512], strides = [1, 1]} : vector<256x1024xbf16> to vector<256x512xbf16>
      %max3A_114 = arith.maximumf %slice3A_112, %slice3A_113 : vector<256x512xbf16>
      %slice3A_115 = vector.extract_strided_slice %max3A_114 {offsets = [0, 0], sizes = [256, 256], strides = [1, 1]} : vector<256x512xbf16> to vector<256x256xbf16>
      %slice3A_116 = vector.extract_strided_slice %max3A_114 {offsets = [0, 256], sizes = [256, 256], strides = [1, 1]} : vector<256x512xbf16> to vector<256x256xbf16>
      %max3A_117 = arith.maximumf %slice3A_115, %slice3A_116 : vector<256x256xbf16>
      %slice3A_118 = vector.extract_strided_slice %max3A_117 {offsets = [0, 0], sizes = [256, 128], strides = [1, 1]} : vector<256x256xbf16> to vector<256x128xbf16>
      %slice3A_119 = vector.extract_strided_slice %max3A_117 {offsets = [0, 128], sizes = [256, 128], strides = [1, 1]} : vector<256x256xbf16> to vector<256x128xbf16>
      %max3A_120 = arith.maximumf %slice3A_118, %slice3A_119 : vector<256x128xbf16>
      %convert_element_type3A_121 = arith.extf %max3A_120 : vector<256x128xbf16> to vector<256x128xf32>
      %reduce_max3A_122 = arith.constant dense<0xFF800000> : vector<256xf32>
      %reduce_max3A_123 = vector.multi_reduction <maximumf>, %convert_element_type3A_121, %reduce_max3A_122 [1] : vector<256x128xf32> to vector<256xf32>
      %broadcast_in_dim3A_124 = vector.shape_cast %reduce_max3A_123 : vector<256xf32> to vector<256x1xf32>
      %get3A_125 = arith.constant 256 : index
      %get3A_126 = arith.constant 0 : index
      %get3A_127 = vector.load %arg10[%get3A_125, %get3A_126] : memref<1024x1xf32, #tpu.memory_space<vmem>>, vector<256x1xf32>
      %max3A_128 = arith.maximumf %get3A_127, %broadcast_in_dim3A_124 : vector<256x1xf32>
      %convert_element_type3A_129 = arith.truncf %max3A_128 : vector<256x1xf32> to vector<256x1xbf16>
      %slice3A_130 = vector.extract_strided_slice %convert_element_type3A_105 {offsets = [0, 0], sizes = [256, 2048], strides = [1, 1]} : vector<256x4096xbf16> to vector<256x2048xbf16>
      %sub3A_131 = vector.broadcast %convert_element_type3A_129 : vector<256x1xbf16> to vector<256x2048xbf16>
      %sub3A_132 = arith.subf %slice3A_130, %sub3A_131 : vector<256x2048xbf16>
      %exp23A_133 = math.exp2 %sub3A_132 : vector<256x2048xbf16>
      %slice3A_134 = vector.extract_strided_slice %convert_element_type3A_105 {offsets = [0, 2048], sizes = [256, 2048], strides = [1, 1]} : vector<256x4096xbf16> to vector<256x2048xbf16>
      %sub3A_135 = vector.broadcast %convert_element_type3A_129 : vector<256x1xbf16> to vector<256x2048xbf16>
      %sub3A_136 = arith.subf %slice3A_134, %sub3A_135 : vector<256x2048xbf16>
      %exp23A_137 = math.exp2 %sub3A_136 : vector<256x2048xbf16>
      %add3A_138 = arith.addf %exp23A_133, %exp23A_137 : vector<256x2048xbf16>
      %slice3A_139 = vector.extract_strided_slice %add3A_138 {offsets = [0, 0], sizes = [256, 1024], strides = [1, 1]} : vector<256x2048xbf16> to vector<256x1024xbf16>
      %slice3A_140 = vector.extract_strided_slice %add3A_138 {offsets = [0, 1024], sizes = [256, 1024], strides = [1, 1]} : vector<256x2048xbf16> to vector<256x1024xbf16>
      %add3A_141 = arith.addf %slice3A_139, %slice3A_140 : vector<256x1024xbf16>
      %slice3A_142 = vector.extract_strided_slice %add3A_141 {offsets = [0, 0], sizes = [256, 512], strides = [1, 1]} : vector<256x1024xbf16> to vector<256x512xbf16>
      %slice3A_143 = vector.extract_strided_slice %add3A_141 {offsets = [0, 512], sizes = [256, 512], strides = [1, 1]} : vector<256x1024xbf16> to vector<256x512xbf16>
      %add3A_144 = arith.addf %slice3A_142, %slice3A_143 : vector<256x512xbf16>
      %slice3A_145 = vector.extract_strided_slice %add3A_144 {offsets = [0, 0], sizes = [256, 256], strides = [1, 1]} : vector<256x512xbf16> to vector<256x256xbf16>
      %slice3A_146 = vector.extract_strided_slice %add3A_144 {offsets = [0, 256], sizes = [256, 256], strides = [1, 1]} : vector<256x512xbf16> to vector<256x256xbf16>
      %add3A_147 = arith.addf %slice3A_145, %slice3A_146 : vector<256x256xbf16>
      %slice3A_148 = vector.extract_strided_slice %add3A_147 {offsets = [0, 0], sizes = [256, 128], strides = [1, 1]} : vector<256x256xbf16> to vector<256x128xbf16>
      %slice3A_149 = vector.extract_strided_slice %add3A_147 {offsets = [0, 128], sizes = [256, 128], strides = [1, 1]} : vector<256x256xbf16> to vector<256x128xbf16>
      %add3A_150 = arith.addf %slice3A_148, %slice3A_149 : vector<256x128xbf16>
      %convert_element_type3A_151 = arith.extf %add3A_150 : vector<256x128xbf16> to vector<256x128xf32>
      %reduce_sum3A_152 = arith.constant dense<0.000000e+00> : vector<256xf32>
      %reduce_sum3A_153 = vector.multi_reduction <add>, %convert_element_type3A_151, %reduce_sum3A_152 [1] : vector<256x128xf32> to vector<256xf32>
      %broadcast_in_dim3A_154 = vector.shape_cast %reduce_sum3A_153 : vector<256xf32> to vector<256x1xf32>
      %get3A_155 = arith.constant 256 : index
      %get3A_156 = arith.constant 0 : index
      %get3A_157 = vector.load %arg11[%get3A_155, %get3A_156] : memref<1024x1xf32, #tpu.memory_space<vmem>>, vector<256x1xf32>
      %sub3A_158 = arith.subf %get3A_127, %max3A_128 : vector<256x1xf32>
      %exp23A_159 = math.exp2 %sub3A_158 : vector<256x1xf32>
      %mul3A_160 = arith.mulf %get3A_157, %exp23A_159 : vector<256x1xf32>
      %add3A_161 = arith.addf %mul3A_160, %broadcast_in_dim3A_154 : vector<256x1xf32>
      %swap3A_162 = arith.constant 256 : index
      %swap3A_163 = arith.constant 0 : index
      %swap3A_164 = vector.load %arg11[%swap3A_162, %swap3A_163] : memref<1024x1xf32, #tpu.memory_space<vmem>>, vector<256x1xf32>
      tpu.vector_store %arg11[%swap3A_162, %swap3A_163], %add3A_161 {strides = array<i32>} : memref<1024x1xf32, #tpu.memory_space<vmem>>, vector<256x1xf32>,
      %swap3A_165 = arith.constant 256 : index
      %swap3A_166 = arith.constant 0 : index
      %swap3A_167 = vector.load %arg10[%swap3A_165, %swap3A_166] : memref<1024x1xf32, #tpu.memory_space<vmem>>, vector<256x1xf32>
      tpu.vector_store %arg10[%swap3A_165, %swap3A_166], %max3A_128 {strides = array<i32>} : memref<1024x1xf32, #tpu.memory_space<vmem>>, vector<256x1xf32>,
      %get3A_168 = arith.constant 512 : index
      %get3A_169 = arith.constant 0 : index
      %get3A_170 = vector.load %arg1[%get3A_168, %get3A_169] : memref<1024x128xbf16, #tpu.memory_space<vmem>>, vector<256x128xbf16>
      %dot_general3A_171 = arith.constant dense<0.000000e+00> : vector<256x4096xf32>
      %dot_general3A_172 = tpu.matmul %get3A_170, %convert_element_type3A_41, %dot_general3A_171 {dimension_numbers = #tpu.dot_dimension_numbers<[1], [1], [0], [0], [0, 0, 1, 0], [], []>, transpose_lhs_hint = false} : vector<256x128xbf16>, vector<4096x128xbf16>, vector<256x4096xf32> -> vector<256x4096xf32>
      %convert_element_type3A_173 = arith.truncf %dot_general3A_172 : vector<256x4096xf32> to vector<256x4096xbf16>
      %slice3A_174 = vector.extract_strided_slice %convert_element_type3A_173 {offsets = [0, 0], sizes = [256, 2048], strides = [1, 1]} : vector<256x4096xbf16> to vector<256x2048xbf16>
      %slice3A_175 = vector.extract_strided_slice %convert_element_type3A_173 {offsets = [0, 2048], sizes = [256, 2048], strides = [1, 1]} : vector<256x4096xbf16> to vector<256x2048xbf16>
      %max3A_176 = arith.maximumf %slice3A_174, %slice3A_175 : vector<256x2048xbf16>
      %slice3A_177 = vector.extract_strided_slice %max3A_176 {offsets = [0, 0], sizes = [256, 1024], strides = [1, 1]} : vector<256x2048xbf16> to vector<256x1024xbf16>
      %slice3A_178 = vector.extract_strided_slice %max3A_176 {offsets = [0, 1024], sizes = [256, 1024], strides = [1, 1]} : vector<256x2048xbf16> to vector<256x1024xbf16>
      %max3A_179 = arith.maximumf %slice3A_177, %slice3A_178 : vector<256x1024xbf16>
      %slice3A_180 = vector.extract_strided_slice %max3A_179 {offsets = [0, 0], sizes = [256, 512], strides = [1, 1]} : vector<256x1024xbf16> to vector<256x512xbf16>
      %slice3A_181 = vector.extract_strided_slice %max3A_179 {offsets = [0, 512], sizes = [256, 512], strides = [1, 1]} : vector<256x1024xbf16> to vector<256x512xbf16>
      %max3A_182 = arith.maximumf %slice3A_180, %slice3A_181 : vector<256x512xbf16>
      %slice3A_183 = vector.extract_strided_slice %max3A_182 {offsets = [0, 0], sizes = [256, 256], strides = [1, 1]} : vector<256x512xbf16> to vector<256x256xbf16>
      %slice3A_184 = vector.extract_strided_slice %max3A_182 {offsets = [0, 256], sizes = [256, 256], strides = [1, 1]} : vector<256x512xbf16> to vector<256x256xbf16>
      %max3A_185 = arith.maximumf %slice3A_183, %slice3A_184 : vector<256x256xbf16>
      %slice3A_186 = vector.extract_strided_slice %max3A_185 {offsets = [0, 0], sizes = [256, 128], strides = [1, 1]} : vector<256x256xbf16> to vector<256x128xbf16>
      %slice3A_187 = vector.extract_strided_slice %max3A_185 {offsets = [0, 128], sizes = [256, 128], strides = [1, 1]} : vector<256x256xbf16> to vector<256x128xbf16>
      %max3A_188 = arith.maximumf %slice3A_186, %slice3A_187 : vector<256x128xbf16>
      %convert_element_type3A_189 = arith.extf %max3A_188 : vector<256x128xbf16> to vector<256x128xf32>
      %reduce_max3A_190 = arith.constant dense<0xFF800000> : vector<256xf32>
      %reduce_max3A_191 = vector.multi_reduction <maximumf>, %convert_element_type3A_189, %reduce_max3A_190 [1] : vector<256x128xf32> to vector<256xf32>
      %broadcast_in_dim3A_192 = vector.shape_cast %reduce_max3A_191 : vector<256xf32> to vector<256x1xf32>
      %get3A_193 = arith.constant 512 : index
      %get3A_194 = arith.constant 0 : index
      %get3A_195 = vector.load %arg10[%get3A_193, %get3A_194] : memref<1024x1xf32, #tpu.memory_space<vmem>>, vector<256x1xf32>
      %max3A_196 = arith.maximumf %get3A_195, %broadcast_in_dim3A_192 : vector<256x1xf32>
      %convert_element_type3A_197 = arith.truncf %max3A_196 : vector<256x1xf32> to vector<256x1xbf16>
      %slice3A_198 = vector.extract_strided_slice %convert_element_type3A_173 {offsets = [0, 0], sizes = [256, 2048], strides = [1, 1]} : vector<256x4096xbf16> to vector<256x2048xbf16>
      %sub3A_199 = vector.broadcast %convert_element_type3A_197 : vector<256x1xbf16> to vector<256x2048xbf16>
      %sub3A_200 = arith.subf %slice3A_198, %sub3A_199 : vector<256x2048xbf16>
      %exp23A_201 = math.exp2 %sub3A_200 : vector<256x2048xbf16>
      %slice3A_202 = vector.extract_strided_slice %convert_element_type3A_173 {offsets = [0, 2048], sizes = [256, 2048], strides = [1, 1]} : vector<256x4096xbf16> to vector<256x2048xbf16>
      %sub3A_203 = vector.broadcast %convert_element_type3A_197 : vector<256x1xbf16> to vector<256x2048xbf16>
      %sub3A_204 = arith.subf %slice3A_202, %sub3A_203 : vector<256x2048xbf16>
      %exp23A_205 = math.exp2 %sub3A_204 : vector<256x2048xbf16>
      %add3A_206 = arith.addf %exp23A_201, %exp23A_205 : vector<256x2048xbf16>
      %slice3A_207 = vector.extract_strided_slice %add3A_206 {offsets = [0, 0], sizes = [256, 1024], strides = [1, 1]} : vector<256x2048xbf16> to vector<256x1024xbf16>
      %slice3A_208 = vector.extract_strided_slice %add3A_206 {offsets = [0, 1024], sizes = [256, 1024], strides = [1, 1]} : vector<256x2048xbf16> to vector<256x1024xbf16>
      %add3A_209 = arith.addf %slice3A_207, %slice3A_208 : vector<256x1024xbf16>
      %slice3A_210 = vector.extract_strided_slice %add3A_209 {offsets = [0, 0], sizes = [256, 512], strides = [1, 1]} : vector<256x1024xbf16> to vector<256x512xbf16>
      %slice3A_211 = vector.extract_strided_slice %add3A_209 {offsets = [0, 512], sizes = [256, 512], strides = [1, 1]} : vector<256x1024xbf16> to vector<256x512xbf16>
      %add3A_212 = arith.addf %slice3A_210, %slice3A_211 : vector<256x512xbf16>
      %slice3A_213 = vector.extract_strided_slice %add3A_212 {offsets = [0, 0], sizes = [256, 256], strides = [1, 1]} : vector<256x512xbf16> to vector<256x256xbf16>
      %slice3A_214 = vector.extract_strided_slice %add3A_212 {offsets = [0, 256], sizes = [256, 256], strides = [1, 1]} : vector<256x512xbf16> to vector<256x256xbf16>
      %add3A_215 = arith.addf %slice3A_213, %slice3A_214 : vector<256x256xbf16>
      %slice3A_216 = vector.extract_strided_slice %add3A_215 {offsets = [0, 0], sizes = [256, 128], strides = [1, 1]} : vector<256x256xbf16> to vector<256x128xbf16>
      %slice3A_217 = vector.extract_strided_slice %add3A_215 {offsets = [0, 128], sizes = [256, 128], strides = [1, 1]} : vector<256x256xbf16> to vector<256x128xbf16>
      %add3A_218 = arith.addf %slice3A_216, %slice3A_217 : vector<256x128xbf16>
      %convert_element_type3A_219 = arith.extf %add3A_218 : vector<256x128xbf16> to vector<256x128xf32>
      %reduce_sum3A_220 = arith.constant dense<0.000000e+00> : vector<256xf32>
      %reduce_sum3A_221 = vector.multi_reduction <add>, %convert_element_type3A_219, %reduce_sum3A_220 [1] : vector<256x128xf32> to vector<256xf32>
      %broadcast_in_dim3A_222 = vector.shape_cast %reduce_sum3A_221 : vector<256xf32> to vector<256x1xf32>
      %get3A_223 = arith.constant 512 : index
      %get3A_224 = arith.constant 0 : index
      %get3A_225 = vector.load %arg11[%get3A_223, %get3A_224] : memref<1024x1xf32, #tpu.memory_space<vmem>>, vector<256x1xf32>
      %sub3A_226 = arith.subf %get3A_195, %max3A_196 : vector<256x1xf32>
      %exp23A_227 = math.exp2 %sub3A_226 : vector<256x1xf32>
      %mul3A_228 = arith.mulf %get3A_225, %exp23A_227 : vector<256x1xf32>
      %add3A_229 = arith.addf %mul3A_228, %broadcast_in_dim3A_222 : vector<256x1xf32>
      %swap3A_230 = arith.constant 512 : index
      %swap3A_231 = arith.constant 0 : index
      %swap3A_232 = vector.load %arg11[%swap3A_230, %swap3A_231] : memref<1024x1xf32, #tpu.memory_space<vmem>>, vector<256x1xf32>
      tpu.vector_store %arg11[%swap3A_230, %swap3A_231], %add3A_229 {strides = array<i32>} : memref<1024x1xf32, #tpu.memory_space<vmem>>, vector<256x1xf32>,
      %swap3A_233 = arith.constant 512 : index
      %swap3A_234 = arith.constant 0 : index
      %swap3A_235 = vector.load %arg10[%swap3A_233, %swap3A_234] : memref<1024x1xf32, #tpu.memory_space<vmem>>, vector<256x1xf32>
      tpu.vector_store %arg10[%swap3A_233, %swap3A_234], %max3A_196 {strides = array<i32>} : memref<1024x1xf32, #tpu.memory_space<vmem>>, vector<256x1xf32>,
      %get3A_236 = arith.constant 768 : index
      %get3A_237 = arith.constant 0 : index
      %get3A_238 = vector.load %arg1[%get3A_236, %get3A_237] : memref<1024x128xbf16, #tpu.memory_space<vmem>>, vector<256x128xbf16>
      %dot_general3A_239 = arith.constant dense<0.000000e+00> : vector<256x4096xf32>
      %dot_general3A_240 = tpu.matmul %get3A_238, %convert_element_type3A_41, %dot_general3A_239 {dimension_numbers = #tpu.dot_dimension_numbers<[1], [1], [0], [0], [0, 0, 1, 0], [], []>, transpose_lhs_hint = false} : vector<256x128xbf16>, vector<4096x128xbf16>, vector<256x4096xf32> -> vector<256x4096xf32>
      %convert_element_type3A_241 = arith.truncf %dot_general3A_240 : vector<256x4096xf32> to vector<256x4096xbf16>
      %slice3A_242 = vector.extract_strided_slice %convert_element_type3A_241 {offsets = [0, 0], sizes = [256, 2048], strides = [1, 1]} : vector<256x4096xbf16> to vector<256x2048xbf16>
      %slice3A_243 = vector.extract_strided_slice %convert_element_type3A_241 {offsets = [0, 2048], sizes = [256, 2048], strides = [1, 1]} : vector<256x4096xbf16> to vector<256x2048xbf16>
      %max3A_244 = arith.maximumf %slice3A_242, %slice3A_243 : vector<256x2048xbf16>
      %slice3A_245 = vector.extract_strided_slice %max3A_244 {offsets = [0, 0], sizes = [256, 1024], strides = [1, 1]} : vector<256x2048xbf16> to vector<256x1024xbf16>
      %slice3A_246 = vector.extract_strided_slice %max3A_244 {offsets = [0, 1024], sizes = [256, 1024], strides = [1, 1]} : vector<256x2048xbf16> to vector<256x1024xbf16>
      %max3A_247 = arith.maximumf %slice3A_245, %slice3A_246 : vector<256x1024xbf16>
      %slice3A_248 = vector.extract_strided_slice %max3A_247 {offsets = [0, 0], sizes = [256, 512], strides = [1, 1]} : vector<256x1024xbf16> to vector<256x512xbf16>
      %slice3A_249 = vector.extract_strided_slice %max3A_247 {offsets = [0, 512], sizes = [256, 512], strides = [1, 1]} : vector<256x1024xbf16> to vector<256x512xbf16>
      %max3A_250 = arith.maximumf %slice3A_248, %slice3A_249 : vector<256x512xbf16>
      %slice3A_251 = vector.extract_strided_slice %max3A_250 {offsets = [0, 0], sizes = [256, 256], strides = [1, 1]} : vector<256x512xbf16> to vector<256x256xbf16>
      %slice3A_252 = vector.extract_strided_slice %max3A_250 {offsets = [0, 256], sizes = [256, 256], strides = [1, 1]} : vector<256x512xbf16> to vector<256x256xbf16>
      %max3A_253 = arith.maximumf %slice3A_251, %slice3A_252 : vector<256x256xbf16>
      %slice3A_254 = vector.extract_strided_slice %max3A_253 {offsets = [0, 0], sizes = [256, 128], strides = [1, 1]} : vector<256x256xbf16> to vector<256x128xbf16>
      %slice3A_255 = vector.extract_strided_slice %max3A_253 {offsets = [0, 128], sizes = [256, 128], strides = [1, 1]} : vector<256x256xbf16> to vector<256x128xbf16>
      %max3A_256 = arith.maximumf %slice3A_254, %slice3A_255 : vector<256x128xbf16>
      %convert_element_type3A_257 = arith.extf %max3A_256 : vector<256x128xbf16> to vector<256x128xf32>
      %reduce_max3A_258 = arith.constant dense<0xFF800000> : vector<256xf32>
      %reduce_max3A_259 = vector.multi_reduction <maximumf>, %convert_element_type3A_257, %reduce_max3A_258 [1] : vector<256x128xf32> to vector<256xf32>
      %broadcast_in_dim3A_260 = vector.shape_cast %reduce_max3A_259 : vector<256xf32> to vector<256x1xf32>
      %get3A_261 = arith.constant 768 : index
      %get3A_262 = arith.constant 0 : index
      %get3A_263 = vector.load %arg10[%get3A_261, %get3A_262] : memref<1024x1xf32, #tpu.memory_space<vmem>>, vector<256x1xf32>
      %max3A_264 = arith.maximumf %get3A_263, %broadcast_in_dim3A_260 : vector<256x1xf32>
      %convert_element_type3A_265 = arith.truncf %max3A_264 : vector<256x1xf32> to vector<256x1xbf16>
      %slice3A_266 = vector.extract_strided_slice %convert_element_type3A_241 {offsets = [0, 0], sizes = [256, 2048], strides = [1, 1]} : vector<256x4096xbf16> to vector<256x2048xbf16>
      %sub3A_267 = vector.broadcast %convert_element_type3A_265 : vector<256x1xbf16> to vector<256x2048xbf16>
      %sub3A_268 = arith.subf %slice3A_266, %sub3A_267 : vector<256x2048xbf16>
      %exp23A_269 = math.exp2 %sub3A_268 : vector<256x2048xbf16>
      %slice3A_270 = vector.extract_strided_slice %convert_element_type3A_241 {offsets = [0, 2048], sizes = [256, 2048], strides = [1, 1]} : vector<256x4096xbf16> to vector<256x2048xbf16>
      %sub3A_271 = vector.broadcast %convert_element_type3A_265 : vector<256x1xbf16> to vector<256x2048xbf16>
      %sub3A_272 = arith.subf %slice3A_270, %sub3A_271 : vector<256x2048xbf16>
      %exp23A_273 = math.exp2 %sub3A_272 : vector<256x2048xbf16>
      %add3A_274 = arith.addf %exp23A_269, %exp23A_273 : vector<256x2048xbf16>
      %slice3A_275 = vector.extract_strided_slice %add3A_274 {offsets = [0, 0], sizes = [256, 1024], strides = [1, 1]} : vector<256x2048xbf16> to vector<256x1024xbf16>
      %slice3A_276 = vector.extract_strided_slice %add3A_274 {offsets = [0, 1024], sizes = [256, 1024], strides = [1, 1]} : vector<256x2048xbf16> to vector<256x1024xbf16>
      %add3A_277 = arith.addf %slice3A_275, %slice3A_276 : vector<256x1024xbf16>
      %slice3A_278 = vector.extract_strided_slice %add3A_277 {offsets = [0, 0], sizes = [256, 512], strides = [1, 1]} : vector<256x1024xbf16> to vector<256x512xbf16>
      %slice3A_279 = vector.extract_strided_slice %add3A_277 {offsets = [0, 512], sizes = [256, 512], strides = [1, 1]} : vector<256x1024xbf16> to vector<256x512xbf16>
      %add3A_280 = arith.addf %slice3A_278, %slice3A_279 : vector<256x512xbf16>
      %slice3A_281 = vector.extract_strided_slice %add3A_280 {offsets = [0, 0], sizes = [256, 256], strides = [1, 1]} : vector<256x512xbf16> to vector<256x256xbf16>
      %slice3A_282 = vector.extract_strided_slice %add3A_280 {offsets = [0, 256], sizes = [256, 256], strides = [1, 1]} : vector<256x512xbf16> to vector<256x256xbf16>
      %add3A_283 = arith.addf %slice3A_281, %slice3A_282 : vector<256x256xbf16>
      %slice3A_284 = vector.extract_strided_slice %add3A_283 {offsets = [0, 0], sizes = [256, 128], strides = [1, 1]} : vector<256x256xbf16> to vector<256x128xbf16>
      %slice3A_285 = vector.extract_strided_slice %add3A_283 {offsets = [0, 128], sizes = [256, 128], strides = [1, 1]} : vector<256x256xbf16> to vector<256x128xbf16>
      %add3A_286 = arith.addf %slice3A_284, %slice3A_285 : vector<256x128xbf16>
      %convert_element_type3A_287 = arith.extf %add3A_286 : vector<256x128xbf16> to vector<256x128xf32>
      %reduce_sum3A_288 = arith.constant dense<0.000000e+00> : vector<256xf32>
      %reduce_sum3A_289 = vector.multi_reduction <add>, %convert_element_type3A_287, %reduce_sum3A_288 [1] : vector<256x128xf32> to vector<256xf32>
      %broadcast_in_dim3A_290 = vector.shape_cast %reduce_sum3A_289 : vector<256xf32> to vector<256x1xf32>
      %get3A_291 = arith.constant 768 : index
      %get3A_292 = arith.constant 0 : index
      %get3A_293 = vector.load %arg11[%get3A_291, %get3A_292] : memref<1024x1xf32, #tpu.memory_space<vmem>>, vector<256x1xf32>
      %sub3A_294 = arith.subf %get3A_263, %max3A_264 : vector<256x1xf32>
      %exp23A_295 = math.exp2 %sub3A_294 : vector<256x1xf32>
      %mul3A_296 = arith.mulf %get3A_293, %exp23A_295 : vector<256x1xf32>
      %add3A_297 = arith.addf %mul3A_296, %broadcast_in_dim3A_290 : vector<256x1xf32>
      %swap3A_298 = arith.constant 768 : index
      %swap3A_299 = arith.constant 0 : index
      %swap3A_300 = vector.load %arg11[%swap3A_298, %swap3A_299] : memref<1024x1xf32, #tpu.memory_space<vmem>>, vector<256x1xf32>
      tpu.vector_store %arg11[%swap3A_298, %swap3A_299], %add3A_297 {strides = array<i32>} : memref<1024x1xf32, #tpu.memory_space<vmem>>, vector<256x1xf32>,
      %swap3A_301 = arith.constant 768 : index
      %swap3A_302 = arith.constant 0 : index
      %swap3A_303 = vector.load %arg10[%swap3A_301, %swap3A_302] : memref<1024x1xf32, #tpu.memory_space<vmem>>, vector<256x1xf32>
      tpu.vector_store %arg10[%swap3A_301, %swap3A_302], %max3A_264 {strides = array<i32>} : memref<1024x1xf32, #tpu.memory_space<vmem>>, vector<256x1xf32>,
    } else {
    }
    %eq3A_17 = arith.constant 26 : i32
    %eq3A_18 = arith.cmpi eq, %arg0, %eq3A_17 : i32
    %convert_element_type3A_19 = arith.extui %eq3A_18 : i1 to i32
    %cond3A_20 = arith.constant 0 : i32
    %cond3A_21 = arith.cmpi ne, %convert_element_type3A_19, %cond3A_20 : i32
    scf.if %cond3A_21 {
      %get3A = arith.constant 0 : index
      %get3A_27 = arith.constant 0 : index
      %get3A_28 = arith.constant 0 : index
      %get3A_29 = vector.load %arg4[%get3A, %get3A_27, %get3A_28] : memref<1x4096x1xf32, #tpu.memory_space<vmem>>, vector<1x4096x1xf32>
      %get3A_30 = vector.shape_cast %get3A_29 : vector<1x4096x1xf32> to vector<4096x1xf32>
      %mul3A = arith.constant -0.00999999977 : f32
      %mul3A_31 = vector.broadcast %mul3A : f32 to vector<4096x1xf32>
      %mul3A_32 = arith.mulf %mul3A_31, %get3A_30 : vector<4096x1xf32>
      %exp3A = math.exp %mul3A_32 : vector<4096x1xf32>
      %mul3A_33 = arith.constant 43.2808495 : f32
      %mul3A_34 = vector.broadcast %mul3A_33 : f32 to vector<4096x1xf32>
      %mul3A_35 = arith.mulf %exp3A, %mul3A_34 : vector<4096x1xf32>
      %get3A_36 = arith.constant 0 : index
      %get3A_37 = arith.constant 0 : index
      %get3A_38 = vector.load %arg3[%get3A_36, %get3A_37] : memref<4096x128xf32, #tpu.memory_space<vmem>>, vector<4096x128xf32>
      %mul3A_39 = vector.broadcast %mul3A_35 : vector<4096x1xf32> to vector<4096x128xf32>
      %mul3A_40 = arith.mulf %get3A_38, %mul3A_39 : vector<4096x128xf32>
      %convert_element_type3A_41 = arith.truncf %mul3A_40 : vector<4096x128xf32> to vector<4096x128xbf16>
      %get3A_42 = arith.constant 0 : index
      %get3A_43 = arith.constant 0 : index
      %get3A_44 = vector.load %arg1[%get3A_42, %get3A_43] : memref<1024x128xbf16, #tpu.memory_space<vmem>>, vector<256x128xbf16>
      %dot_general3A = arith.constant dense<0.000000e+00> : vector<256x4096xf32>
      %dot_general3A_45 = tpu.matmul %get3A_44, %convert_element_type3A_41, %dot_general3A {dimension_numbers = #tpu.dot_dimension_numbers<[1], [1], [0], [0], [0, 0, 1, 0], [], []>, transpose_lhs_hint = false} : vector<256x128xbf16>, vector<4096x128xbf16>, vector<256x4096xf32> -> vector<256x4096xf32>
      %convert_element_type3A_46 = arith.truncf %dot_general3A_45 : vector<256x4096xf32> to vector<256x4096xbf16>
      %iota3A = tpu.iota {dimensions = array<i32: 1>} : vector<1x4096xi32>
      %lt3A_47 = arith.constant 904 : i32
      %lt3A_48 = vector.broadcast %lt3A_47 : i32 to vector<1x4096xi32>
      %lt3A_49 = arith.cmpi slt, %iota3A, %lt3A_48 : vector<1x4096xi32>
      %jit3A = arith.constant -1.000000e+30 : f32
      %convert_element_type3A_50 = arith.truncf %jit3A : f32 to bf16
      %broadcast_in_dim3A = vector.shape_cast %lt3A_49 : vector<1x4096xi1> to vector<1x4096xi1>
      %broadcast_in_dim3A_51 = vector.broadcast %broadcast_in_dim3A : vector<1x4096xi1> to vector<256x4096xi1>
      %broadcast_in_dim3A_52 = vector.broadcast %convert_element_type3A_50 : bf16 to vector<256x4096xbf16>
      %select_n3A = arith.select %broadcast_in_dim3A_51, %convert_element_type3A_46, %broadcast_in_dim3A_52 : vector<256x4096xi1>, vector<256x4096xbf16>
      %slice3A = vector.extract_strided_slice %select_n3A {offsets = [0, 0], sizes = [256, 2048], strides = [1, 1]} : vector<256x4096xbf16> to vector<256x2048xbf16>
      %slice3A_53 = vector.extract_strided_slice %select_n3A {offsets = [0, 2048], sizes = [256, 2048], strides = [1, 1]} : vector<256x4096xbf16> to vector<256x2048xbf16>
      %max3A = arith.maximumf %slice3A, %slice3A_53 : vector<256x2048xbf16>
      %slice3A_54 = vector.extract_strided_slice %max3A {offsets = [0, 0], sizes = [256, 1024], strides = [1, 1]} : vector<256x2048xbf16> to vector<256x1024xbf16>
      %slice3A_55 = vector.extract_strided_slice %max3A {offsets = [0, 1024], sizes = [256, 1024], strides = [1, 1]} : vector<256x2048xbf16> to vector<256x1024xbf16>
      %max3A_56 = arith.maximumf %slice3A_54, %slice3A_55 : vector<256x1024xbf16>
      %slice3A_57 = vector.extract_strided_slice %max3A_56 {offsets = [0, 0], sizes = [256, 512], strides = [1, 1]} : vector<256x1024xbf16> to vector<256x512xbf16>
      %slice3A_58 = vector.extract_strided_slice %max3A_56 {offsets = [0, 512], sizes = [256, 512], strides = [1, 1]} : vector<256x1024xbf16> to vector<256x512xbf16>
      %max3A_59 = arith.maximumf %slice3A_57, %slice3A_58 : vector<256x512xbf16>
      %slice3A_60 = vector.extract_strided_slice %max3A_59 {offsets = [0, 0], sizes = [256, 256], strides = [1, 1]} : vector<256x512xbf16> to vector<256x256xbf16>
      %slice3A_61 = vector.extract_strided_slice %max3A_59 {offsets = [0, 256], sizes = [256, 256], strides = [1, 1]} : vector<256x512xbf16> to vector<256x256xbf16>
      %max3A_62 = arith.maximumf %slice3A_60, %slice3A_61 : vector<256x256xbf16>
      %slice3A_63 = vector.extract_strided_slice %max3A_62 {offsets = [0, 0], sizes = [256, 128], strides = [1, 1]} : vector<256x256xbf16> to vector<256x128xbf16>
      %slice3A_64 = vector.extract_strided_slice %max3A_62 {offsets = [0, 128], sizes = [256, 128], strides = [1, 1]} : vector<256x256xbf16> to vector<256x128xbf16>
      %max3A_65 = arith.maximumf %slice3A_63, %slice3A_64 : vector<256x128xbf16>
      %convert_element_type3A_66 = arith.extf %max3A_65 : vector<256x128xbf16> to vector<256x128xf32>
      %reduce_max3A = arith.constant dense<0xFF800000> : vector<256xf32>
      %reduce_max3A_67 = vector.multi_reduction <maximumf>, %convert_element_type3A_66, %reduce_max3A [1] : vector<256x128xf32> to vector<256xf32>
      %broadcast_in_dim3A_68 = vector.shape_cast %reduce_max3A_67 : vector<256xf32> to vector<256x1xf32>
      %get3A_69 = arith.constant 0 : index
      %get3A_70 = arith.constant 0 : index
      %get3A_71 = vector.load %arg10[%get3A_69, %get3A_70] : memref<1024x1xf32, #tpu.memory_space<vmem>>, vector<256x1xf32>
      %max3A_72 = arith.maximumf %get3A_71, %broadcast_in_dim3A_68 : vector<256x1xf32>
      %convert_element_type3A_73 = arith.truncf %max3A_72 : vector<256x1xf32> to vector<256x1xbf16>
      %slice3A_74 = vector.extract_strided_slice %select_n3A {offsets = [0, 0], sizes = [256, 2048], strides = [1, 1]} : vector<256x4096xbf16> to vector<256x2048xbf16>
      %sub3A = vector.broadcast %convert_element_type3A_73 : vector<256x1xbf16> to vector<256x2048xbf16>
      %sub3A_75 = arith.subf %slice3A_74, %sub3A : vector<256x2048xbf16>
      %exp23A = math.exp2 %sub3A_75 : vector<256x2048xbf16>
      %slice3A_76 = vector.extract_strided_slice %select_n3A {offsets = [0, 2048], sizes = [256, 2048], strides = [1, 1]} : vector<256x4096xbf16> to vector<256x2048xbf16>
      %sub3A_77 = vector.broadcast %convert_element_type3A_73 : vector<256x1xbf16> to vector<256x2048xbf16>
      %sub3A_78 = arith.subf %slice3A_76, %sub3A_77 : vector<256x2048xbf16>
      %exp23A_79 = math.exp2 %sub3A_78 : vector<256x2048xbf16>
      %add3A = arith.addf %exp23A, %exp23A_79 : vector<256x2048xbf16>
      %slice3A_80 = vector.extract_strided_slice %add3A {offsets = [0, 0], sizes = [256, 1024], strides = [1, 1]} : vector<256x2048xbf16> to vector<256x1024xbf16>
      %slice3A_81 = vector.extract_strided_slice %add3A {offsets = [0, 1024], sizes = [256, 1024], strides = [1, 1]} : vector<256x2048xbf16> to vector<256x1024xbf16>
      %add3A_82 = arith.addf %slice3A_80, %slice3A_81 : vector<256x1024xbf16>
      %slice3A_83 = vector.extract_strided_slice %add3A_82 {offsets = [0, 0], sizes = [256, 512], strides = [1, 1]} : vector<256x1024xbf16> to vector<256x512xbf16>
      %slice3A_84 = vector.extract_strided_slice %add3A_82 {offsets = [0, 512], sizes = [256, 512], strides = [1, 1]} : vector<256x1024xbf16> to vector<256x512xbf16>
      %add3A_85 = arith.addf %slice3A_83, %slice3A_84 : vector<256x512xbf16>
      %slice3A_86 = vector.extract_strided_slice %add3A_85 {offsets = [0, 0], sizes = [256, 256], strides = [1, 1]} : vector<256x512xbf16> to vector<256x256xbf16>
      %slice3A_87 = vector.extract_strided_slice %add3A_85 {offsets = [0, 256], sizes = [256, 256], strides = [1, 1]} : vector<256x512xbf16> to vector<256x256xbf16>
      %add3A_88 = arith.addf %slice3A_86, %slice3A_87 : vector<256x256xbf16>
      %slice3A_89 = vector.extract_strided_slice %add3A_88 {offsets = [0, 0], sizes = [256, 128], strides = [1, 1]} : vector<256x256xbf16> to vector<256x128xbf16>
      %slice3A_90 = vector.extract_strided_slice %add3A_88 {offsets = [0, 128], sizes = [256, 128], strides = [1, 1]} : vector<256x256xbf16> to vector<256x128xbf16>
      %add3A_91 = arith.addf %slice3A_89, %slice3A_90 : vector<256x128xbf16>
      %convert_element_type3A_92 = arith.extf %add3A_91 : vector<256x128xbf16> to vector<256x128xf32>
      %reduce_sum3A = arith.constant dense<0.000000e+00> : vector<256xf32>
      %reduce_sum3A_93 = vector.multi_reduction <add>, %convert_element_type3A_92, %reduce_sum3A [1] : vector<256x128xf32> to vector<256xf32>
      %broadcast_in_dim3A_94 = vector.shape_cast %reduce_sum3A_93 : vector<256xf32> to vector<256x1xf32>
      %get3A_95 = arith.constant 0 : index
      %get3A_96 = arith.constant 0 : index
      %get3A_97 = vector.load %arg11[%get3A_95, %get3A_96] : memref<1024x1xf32, #tpu.memory_space<vmem>>, vector<256x1xf32>
      %sub3A_98 = arith.subf %get3A_71, %max3A_72 : vector<256x1xf32>
      %exp23A_99 = math.exp2 %sub3A_98 : vector<256x1xf32>
      %mul3A_100 = arith.mulf %get3A_97, %exp23A_99 : vector<256x1xf32>
      %add3A_101 = arith.addf %mul3A_100, %broadcast_in_dim3A_94 : vector<256x1xf32>
      %swap3A = arith.constant 0 : index
      %swap3A_102 = arith.constant 0 : index
      %swap3A_103 = vector.load %arg11[%swap3A, %swap3A_102] : memref<1024x1xf32, #tpu.memory_space<vmem>>, vector<256x1xf32>
      tpu.vector_store %arg11[%swap3A, %swap3A_102], %add3A_101 {strides = array<i32>} : memref<1024x1xf32, #tpu.memory_space<vmem>>, vector<256x1xf32>,
      %swap3A_104 = arith.constant 0 : index
      %swap3A_105 = arith.constant 0 : index
      %swap3A_106 = vector.load %arg10[%swap3A_104, %swap3A_105] : memref<1024x1xf32, #tpu.memory_space<vmem>>, vector<256x1xf32>
      tpu.vector_store %arg10[%swap3A_104, %swap3A_105], %max3A_72 {strides = array<i32>} : memref<1024x1xf32, #tpu.memory_space<vmem>>, vector<256x1xf32>,
      %get3A_107 = arith.constant 256 : index
      %get3A_108 = arith.constant 0 : index
      %get3A_109 = vector.load %arg1[%get3A_107, %get3A_108] : memref<1024x128xbf16, #tpu.memory_space<vmem>>, vector<256x128xbf16>
      %dot_general3A_110 = arith.constant dense<0.000000e+00> : vector<256x4096xf32>
      %dot_general3A_111 = tpu.matmul %get3A_109, %convert_element_type3A_41, %dot_general3A_110 {dimension_numbers = #tpu.dot_dimension_numbers<[1], [1], [0], [0], [0, 0, 1, 0], [], []>, transpose_lhs_hint = false} : vector<256x128xbf16>, vector<4096x128xbf16>, vector<256x4096xf32> -> vector<256x4096xf32>
      %convert_element_type3A_112 = arith.truncf %dot_general3A_111 : vector<256x4096xf32> to vector<256x4096xbf16>
      %iota3A_113 = tpu.iota {dimensions = array<i32: 1>} : vector<1x4096xi32>
      %lt3A_114 = arith.constant 904 : i32
      %lt3A_115 = vector.broadcast %lt3A_114 : i32 to vector<1x4096xi32>
      %lt3A_116 = arith.cmpi slt, %iota3A_113, %lt3A_115 : vector<1x4096xi32>
      %jit3A_117 = arith.constant -1.000000e+30 : f32
      %convert_element_type3A_118 = arith.truncf %jit3A_117 : f32 to bf16
      %broadcast_in_dim3A_119 = vector.shape_cast %lt3A_116 : vector<1x4096xi1> to vector<1x4096xi1>
      %broadcast_in_dim3A_120 = vector.broadcast %broadcast_in_dim3A_119 : vector<1x4096xi1> to vector<256x4096xi1>
      %broadcast_in_dim3A_121 = vector.broadcast %convert_element_type3A_118 : bf16 to vector<256x4096xbf16>
      %select_n3A_122 = arith.select %broadcast_in_dim3A_120, %convert_element_type3A_112, %broadcast_in_dim3A_121 : vector<256x4096xi1>, vector<256x4096xbf16>
      %slice3A_123 = vector.extract_strided_slice %select_n3A_122 {offsets = [0, 0], sizes = [256, 2048], strides = [1, 1]} : vector<256x4096xbf16> to vector<256x2048xbf16>
      %slice3A_124 = vector.extract_strided_slice %select_n3A_122 {offsets = [0, 2048], sizes = [256, 2048], strides = [1, 1]} : vector<256x4096xbf16> to vector<256x2048xbf16>
      %max3A_125 = arith.maximumf %slice3A_123, %slice3A_124 : vector<256x2048xbf16>
      %slice3A_126 = vector.extract_strided_slice %max3A_125 {offsets = [0, 0], sizes = [256, 1024], strides = [1, 1]} : vector<256x2048xbf16> to vector<256x1024xbf16>
      %slice3A_127 = vector.extract_strided_slice %max3A_125 {offsets = [0, 1024], sizes = [256, 1024], strides = [1, 1]} : vector<256x2048xbf16> to vector<256x1024xbf16>
      %max3A_128 = arith.maximumf %slice3A_126, %slice3A_127 : vector<256x1024xbf16>
      %slice3A_129 = vector.extract_strided_slice %max3A_128 {offsets = [0, 0], sizes = [256, 512], strides = [1, 1]} : vector<256x1024xbf16> to vector<256x512xbf16>
      %slice3A_130 = vector.extract_strided_slice %max3A_128 {offsets = [0, 512], sizes = [256, 512], strides = [1, 1]} : vector<256x1024xbf16> to vector<256x512xbf16>
      %max3A_131 = arith.maximumf %slice3A_129, %slice3A_130 : vector<256x512xbf16>
      %slice3A_132 = vector.extract_strided_slice %max3A_131 {offsets = [0, 0], sizes = [256, 256], strides = [1, 1]} : vector<256x512xbf16> to vector<256x256xbf16>
      %slice3A_133 = vector.extract_strided_slice %max3A_131 {offsets = [0, 256], sizes = [256, 256], strides = [1, 1]} : vector<256x512xbf16> to vector<256x256xbf16>
      %max3A_134 = arith.maximumf %slice3A_132, %slice3A_133 : vector<256x256xbf16>
      %slice3A_135 = vector.extract_strided_slice %max3A_134 {offsets = [0, 0], sizes = [256, 128], strides = [1, 1]} : vector<256x256xbf16> to vector<256x128xbf16>
      %slice3A_136 = vector.extract_strided_slice %max3A_134 {offsets = [0, 128], sizes = [256, 128], strides = [1, 1]} : vector<256x256xbf16> to vector<256x128xbf16>
      %max3A_137 = arith.maximumf %slice3A_135, %slice3A_136 : vector<256x128xbf16>
      %convert_element_type3A_138 = arith.extf %max3A_137 : vector<256x128xbf16> to vector<256x128xf32>
      %reduce_max3A_139 = arith.constant dense<0xFF800000> : vector<256xf32>
      %reduce_max3A_140 = vector.multi_reduction <maximumf>, %convert_element_type3A_138, %reduce_max3A_139 [1] : vector<256x128xf32> to vector<256xf32>
      %broadcast_in_dim3A_141 = vector.shape_cast %reduce_max3A_140 : vector<256xf32> to vector<256x1xf32>
      %get3A_142 = arith.constant 256 : index
      %get3A_143 = arith.constant 0 : index
      %get3A_144 = vector.load %arg10[%get3A_142, %get3A_143] : memref<1024x1xf32, #tpu.memory_space<vmem>>, vector<256x1xf32>
      %max3A_145 = arith.maximumf %get3A_144, %broadcast_in_dim3A_141 : vector<256x1xf32>
      %convert_element_type3A_146 = arith.truncf %max3A_145 : vector<256x1xf32> to vector<256x1xbf16>
      %slice3A_147 = vector.extract_strided_slice %select_n3A_122 {offsets = [0, 0], sizes = [256, 2048], strides = [1, 1]} : vector<256x4096xbf16> to vector<256x2048xbf16>
      %sub3A_148 = vector.broadcast %convert_element_type3A_146 : vector<256x1xbf16> to vector<256x2048xbf16>
      %sub3A_149 = arith.subf %slice3A_147, %sub3A_148 : vector<256x2048xbf16>
      %exp23A_150 = math.exp2 %sub3A_149 : vector<256x2048xbf16>
      %slice3A_151 = vector.extract_strided_slice %select_n3A_122 {offsets = [0, 2048], sizes = [256, 2048], strides = [1, 1]} : vector<256x4096xbf16> to vector<256x2048xbf16>
      %sub3A_152 = vector.broadcast %convert_element_type3A_146 : vector<256x1xbf16> to vector<256x2048xbf16>
      %sub3A_153 = arith.subf %slice3A_151, %sub3A_152 : vector<256x2048xbf16>
      %exp23A_154 = math.exp2 %sub3A_153 : vector<256x2048xbf16>
      %add3A_155 = arith.addf %exp23A_150, %exp23A_154 : vector<256x2048xbf16>
      %slice3A_156 = vector.extract_strided_slice %add3A_155 {offsets = [0, 0], sizes = [256, 1024], strides = [1, 1]} : vector<256x2048xbf16> to vector<256x1024xbf16>
      %slice3A_157 = vector.extract_strided_slice %add3A_155 {offsets = [0, 1024], sizes = [256, 1024], strides = [1, 1]} : vector<256x2048xbf16> to vector<256x1024xbf16>
      %add3A_158 = arith.addf %slice3A_156, %slice3A_157 : vector<256x1024xbf16>
      %slice3A_159 = vector.extract_strided_slice %add3A_158 {offsets = [0, 0], sizes = [256, 512], strides = [1, 1]} : vector<256x1024xbf16> to vector<256x512xbf16>
      %slice3A_160 = vector.extract_strided_slice %add3A_158 {offsets = [0, 512], sizes = [256, 512], strides = [1, 1]} : vector<256x1024xbf16> to vector<256x512xbf16>
      %add3A_161 = arith.addf %slice3A_159, %slice3A_160 : vector<256x512xbf16>
      %slice3A_162 = vector.extract_strided_slice %add3A_161 {offsets = [0, 0], sizes = [256, 256], strides = [1, 1]} : vector<256x512xbf16> to vector<256x256xbf16>
      %slice3A_163 = vector.extract_strided_slice %add3A_161 {offsets = [0, 256], sizes = [256, 256], strides = [1, 1]} : vector<256x512xbf16> to vector<256x256xbf16>
      %add3A_164 = arith.addf %slice3A_162, %slice3A_163 : vector<256x256xbf16>
      %slice3A_165 = vector.extract_strided_slice %add3A_164 {offsets = [0, 0], sizes = [256, 128], strides = [1, 1]} : vector<256x256xbf16> to vector<256x128xbf16>
      %slice3A_166 = vector.extract_strided_slice %add3A_164 {offsets = [0, 128], sizes = [256, 128], strides = [1, 1]} : vector<256x256xbf16> to vector<256x128xbf16>
      %add3A_167 = arith.addf %slice3A_165, %slice3A_166 : vector<256x128xbf16>
      %convert_element_type3A_168 = arith.extf %add3A_167 : vector<256x128xbf16> to vector<256x128xf32>
      %reduce_sum3A_169 = arith.constant dense<0.000000e+00> : vector<256xf32>
      %reduce_sum3A_170 = vector.multi_reduction <add>, %convert_element_type3A_168, %reduce_sum3A_169 [1] : vector<256x128xf32> to vector<256xf32>
      %broadcast_in_dim3A_171 = vector.shape_cast %reduce_sum3A_170 : vector<256xf32> to vector<256x1xf32>
      %get3A_172 = arith.constant 256 : index
      %get3A_173 = arith.constant 0 : index
      %get3A_174 = vector.load %arg11[%get3A_172, %get3A_173] : memref<1024x1xf32, #tpu.memory_space<vmem>>, vector<256x1xf32>
      %sub3A_175 = arith.subf %get3A_144, %max3A_145 : vector<256x1xf32>
      %exp23A_176 = math.exp2 %sub3A_175 : vector<256x1xf32>
      %mul3A_177 = arith.mulf %get3A_174, %exp23A_176 : vector<256x1xf32>
      %add3A_178 = arith.addf %mul3A_177, %broadcast_in_dim3A_171 : vector<256x1xf32>
      %swap3A_179 = arith.constant 256 : index
      %swap3A_180 = arith.constant 0 : index
      %swap3A_181 = vector.load %arg11[%swap3A_179, %swap3A_180] : memref<1024x1xf32, #tpu.memory_space<vmem>>, vector<256x1xf32>
      tpu.vector_store %arg11[%swap3A_179, %swap3A_180], %add3A_178 {strides = array<i32>} : memref<1024x1xf32, #tpu.memory_space<vmem>>, vector<256x1xf32>,
      %swap3A_182 = arith.constant 256 : index
      %swap3A_183 = arith.constant 0 : index
      %swap3A_184 = vector.load %arg10[%swap3A_182, %swap3A_183] : memref<1024x1xf32, #tpu.memory_space<vmem>>, vector<256x1xf32>
      tpu.vector_store %arg10[%swap3A_182, %swap3A_183], %max3A_145 {strides = array<i32>} : memref<1024x1xf32, #tpu.memory_space<vmem>>, vector<256x1xf32>,
      %get3A_185 = arith.constant 512 : index
      %get3A_186 = arith.constant 0 : index
      %get3A_187 = vector.load %arg1[%get3A_185, %get3A_186] : memref<1024x128xbf16, #tpu.memory_space<vmem>>, vector<256x128xbf16>
      %dot_general3A_188 = arith.constant dense<0.000000e+00> : vector<256x4096xf32>
      %dot_general3A_189 = tpu.matmul %get3A_187, %convert_element_type3A_41, %dot_general3A_188 {dimension_numbers = #tpu.dot_dimension_numbers<[1], [1], [0], [0], [0, 0, 1, 0], [], []>, transpose_lhs_hint = false} : vector<256x128xbf16>, vector<4096x128xbf16>, vector<256x4096xf32> -> vector<256x4096xf32>
      %convert_element_type3A_190 = arith.truncf %dot_general3A_189 : vector<256x4096xf32> to vector<256x4096xbf16>
      %iota3A_191 = tpu.iota {dimensions = array<i32: 1>} : vector<1x4096xi32>
      %lt3A_192 = arith.constant 904 : i32
      %lt3A_193 = vector.broadcast %lt3A_192 : i32 to vector<1x4096xi32>
      %lt3A_194 = arith.cmpi slt, %iota3A_191, %lt3A_193 : vector<1x4096xi32>
      %jit3A_195 = arith.constant -1.000000e+30 : f32
      %convert_element_type3A_196 = arith.truncf %jit3A_195 : f32 to bf16
      %broadcast_in_dim3A_197 = vector.shape_cast %lt3A_194 : vector<1x4096xi1> to vector<1x4096xi1>
      %broadcast_in_dim3A_198 = vector.broadcast %broadcast_in_dim3A_197 : vector<1x4096xi1> to vector<256x4096xi1>
      %broadcast_in_dim3A_199 = vector.broadcast %convert_element_type3A_196 : bf16 to vector<256x4096xbf16>
      %select_n3A_200 = arith.select %broadcast_in_dim3A_198, %convert_element_type3A_190, %broadcast_in_dim3A_199 : vector<256x4096xi1>, vector<256x4096xbf16>
      %slice3A_201 = vector.extract_strided_slice %select_n3A_200 {offsets = [0, 0], sizes = [256, 2048], strides = [1, 1]} : vector<256x4096xbf16> to vector<256x2048xbf16>
      %slice3A_202 = vector.extract_strided_slice %select_n3A_200 {offsets = [0, 2048], sizes = [256, 2048], strides = [1, 1]} : vector<256x4096xbf16> to vector<256x2048xbf16>
      %max3A_203 = arith.maximumf %slice3A_201, %slice3A_202 : vector<256x2048xbf16>
      %slice3A_204 = vector.extract_strided_slice %max3A_203 {offsets = [0, 0], sizes = [256, 1024], strides = [1, 1]} : vector<256x2048xbf16> to vector<256x1024xbf16>
      %slice3A_205 = vector.extract_strided_slice %max3A_203 {offsets = [0, 1024], sizes = [256, 1024], strides = [1, 1]} : vector<256x2048xbf16> to vector<256x1024xbf16>
      %max3A_206 = arith.maximumf %slice3A_204, %slice3A_205 : vector<256x1024xbf16>
      %slice3A_207 = vector.extract_strided_slice %max3A_206 {offsets = [0, 0], sizes = [256, 512], strides = [1, 1]} : vector<256x1024xbf16> to vector<256x512xbf16>
      %slice3A_208 = vector.extract_strided_slice %max3A_206 {offsets = [0, 512], sizes = [256, 512], strides = [1, 1]} : vector<256x1024xbf16> to vector<256x512xbf16>
      %max3A_209 = arith.maximumf %slice3A_207, %slice3A_208 : vector<256x512xbf16>
      %slice3A_210 = vector.extract_strided_slice %max3A_209 {offsets = [0, 0], sizes = [256, 256], strides = [1, 1]} : vector<256x512xbf16> to vector<256x256xbf16>
      %slice3A_211 = vector.extract_strided_slice %max3A_209 {offsets = [0, 256], sizes = [256, 256], strides = [1, 1]} : vector<256x512xbf16> to vector<256x256xbf16>
      %max3A_212 = arith.maximumf %slice3A_210, %slice3A_211 : vector<256x256xbf16>
      %slice3A_213 = vector.extract_strided_slice %max3A_212 {offsets = [0, 0], sizes = [256, 128], strides = [1, 1]} : vector<256x256xbf16> to vector<256x128xbf16>
      %slice3A_214 = vector.extract_strided_slice %max3A_212 {offsets = [0, 128], sizes = [256, 128], strides = [1, 1]} : vector<256x256xbf16> to vector<256x128xbf16>
      %max3A_215 = arith.maximumf %slice3A_213, %slice3A_214 : vector<256x128xbf16>
      %convert_element_type3A_216 = arith.extf %max3A_215 : vector<256x128xbf16> to vector<256x128xf32>
      %reduce_max3A_217 = arith.constant dense<0xFF800000> : vector<256xf32>
      %reduce_max3A_218 = vector.multi_reduction <maximumf>, %convert_element_type3A_216, %reduce_max3A_217 [1] : vector<256x128xf32> to vector<256xf32>
      %broadcast_in_dim3A_219 = vector.shape_cast %reduce_max3A_218 : vector<256xf32> to vector<256x1xf32>
      %get3A_220 = arith.constant 512 : index
      %get3A_221 = arith.constant 0 : index
      %get3A_222 = vector.load %arg10[%get3A_220, %get3A_221] : memref<1024x1xf32, #tpu.memory_space<vmem>>, vector<256x1xf32>
      %max3A_223 = arith.maximumf %get3A_222, %broadcast_in_dim3A_219 : vector<256x1xf32>
      %convert_element_type3A_224 = arith.truncf %max3A_223 : vector<256x1xf32> to vector<256x1xbf16>
      %slice3A_225 = vector.extract_strided_slice %select_n3A_200 {offsets = [0, 0], sizes = [256, 2048], strides = [1, 1]} : vector<256x4096xbf16> to vector<256x2048xbf16>
      %sub3A_226 = vector.broadcast %convert_element_type3A_224 : vector<256x1xbf16> to vector<256x2048xbf16>
      %sub3A_227 = arith.subf %slice3A_225, %sub3A_226 : vector<256x2048xbf16>
      %exp23A_228 = math.exp2 %sub3A_227 : vector<256x2048xbf16>
      %slice3A_229 = vector.extract_strided_slice %select_n3A_200 {offsets = [0, 2048], sizes = [256, 2048], strides = [1, 1]} : vector<256x4096xbf16> to vector<256x2048xbf16>
      %sub3A_230 = vector.broadcast %convert_element_type3A_224 : vector<256x1xbf16> to vector<256x2048xbf16>
      %sub3A_231 = arith.subf %slice3A_229, %sub3A_230 : vector<256x2048xbf16>
      %exp23A_232 = math.exp2 %sub3A_231 : vector<256x2048xbf16>
      %add3A_233 = arith.addf %exp23A_228, %exp23A_232 : vector<256x2048xbf16>
      %slice3A_234 = vector.extract_strided_slice %add3A_233 {offsets = [0, 0], sizes = [256, 1024], strides = [1, 1]} : vector<256x2048xbf16> to vector<256x1024xbf16>
      %slice3A_235 = vector.extract_strided_slice %add3A_233 {offsets = [0, 1024], sizes = [256, 1024], strides = [1, 1]} : vector<256x2048xbf16> to vector<256x1024xbf16>
      %add3A_236 = arith.addf %slice3A_234, %slice3A_235 : vector<256x1024xbf16>
      %slice3A_237 = vector.extract_strided_slice %add3A_236 {offsets = [0, 0], sizes = [256, 512], strides = [1, 1]} : vector<256x1024xbf16> to vector<256x512xbf16>
      %slice3A_238 = vector.extract_strided_slice %add3A_236 {offsets = [0, 512], sizes = [256, 512], strides = [1, 1]} : vector<256x1024xbf16> to vector<256x512xbf16>
      %add3A_239 = arith.addf %slice3A_237, %slice3A_238 : vector<256x512xbf16>
      %slice3A_240 = vector.extract_strided_slice %add3A_239 {offsets = [0, 0], sizes = [256, 256], strides = [1, 1]} : vector<256x512xbf16> to vector<256x256xbf16>
      %slice3A_241 = vector.extract_strided_slice %add3A_239 {offsets = [0, 256], sizes = [256, 256], strides = [1, 1]} : vector<256x512xbf16> to vector<256x256xbf16>
      %add3A_242 = arith.addf %slice3A_240, %slice3A_241 : vector<256x256xbf16>
      %slice3A_243 = vector.extract_strided_slice %add3A_242 {offsets = [0, 0], sizes = [256, 128], strides = [1, 1]} : vector<256x256xbf16> to vector<256x128xbf16>
      %slice3A_244 = vector.extract_strided_slice %add3A_242 {offsets = [0, 128], sizes = [256, 128], strides = [1, 1]} : vector<256x256xbf16> to vector<256x128xbf16>
      %add3A_245 = arith.addf %slice3A_243, %slice3A_244 : vector<256x128xbf16>
      %convert_element_type3A_246 = arith.extf %add3A_245 : vector<256x128xbf16> to vector<256x128xf32>
      %reduce_sum3A_247 = arith.constant dense<0.000000e+00> : vector<256xf32>
      %reduce_sum3A_248 = vector.multi_reduction <add>, %convert_element_type3A_246, %reduce_sum3A_247 [1] : vector<256x128xf32> to vector<256xf32>
      %broadcast_in_dim3A_249 = vector.shape_cast %reduce_sum3A_248 : vector<256xf32> to vector<256x1xf32>
      %get3A_250 = arith.constant 512 : index
      %get3A_251 = arith.constant 0 : index
      %get3A_252 = vector.load %arg11[%get3A_250, %get3A_251] : memref<1024x1xf32, #tpu.memory_space<vmem>>, vector<256x1xf32>
      %sub3A_253 = arith.subf %get3A_222, %max3A_223 : vector<256x1xf32>
      %exp23A_254 = math.exp2 %sub3A_253 : vector<256x1xf32>
      %mul3A_255 = arith.mulf %get3A_252, %exp23A_254 : vector<256x1xf32>
      %add3A_256 = arith.addf %mul3A_255, %broadcast_in_dim3A_249 : vector<256x1xf32>
      %swap3A_257 = arith.constant 512 : index
      %swap3A_258 = arith.constant 0 : index
      %swap3A_259 = vector.load %arg11[%swap3A_257, %swap3A_258] : memref<1024x1xf32, #tpu.memory_space<vmem>>, vector<256x1xf32>
      tpu.vector_store %arg11[%swap3A_257, %swap3A_258], %add3A_256 {strides = array<i32>} : memref<1024x1xf32, #tpu.memory_space<vmem>>, vector<256x1xf32>,
      %swap3A_260 = arith.constant 512 : index
      %swap3A_261 = arith.constant 0 : index
      %swap3A_262 = vector.load %arg10[%swap3A_260, %swap3A_261] : memref<1024x1xf32, #tpu.memory_space<vmem>>, vector<256x1xf32>
      tpu.vector_store %arg10[%swap3A_260, %swap3A_261], %max3A_223 {strides = array<i32>} : memref<1024x1xf32, #tpu.memory_space<vmem>>, vector<256x1xf32>,
      %get3A_263 = arith.constant 768 : index
      %get3A_264 = arith.constant 0 : index
      %get3A_265 = vector.load %arg1[%get3A_263, %get3A_264] : memref<1024x128xbf16, #tpu.memory_space<vmem>>, vector<256x128xbf16>
      %dot_general3A_266 = arith.constant dense<0.000000e+00> : vector<256x4096xf32>
      %dot_general3A_267 = tpu.matmul %get3A_265, %convert_element_type3A_41, %dot_general3A_266 {dimension_numbers = #tpu.dot_dimension_numbers<[1], [1], [0], [0], [0, 0, 1, 0], [], []>, transpose_lhs_hint = false} : vector<256x128xbf16>, vector<4096x128xbf16>, vector<256x4096xf32> -> vector<256x4096xf32>
      %convert_element_type3A_268 = arith.truncf %dot_general3A_267 : vector<256x4096xf32> to vector<256x4096xbf16>
      %iota3A_269 = tpu.iota {dimensions = array<i32: 1>} : vector<1x4096xi32>
      %lt3A_270 = arith.constant 904 : i32
      %lt3A_271 = vector.broadcast %lt3A_270 : i32 to vector<1x4096xi32>
      %lt3A_272 = arith.cmpi slt, %iota3A_269, %lt3A_271 : vector<1x4096xi32>
      %jit3A_273 = arith.constant -1.000000e+30 : f32
      %convert_element_type3A_274 = arith.truncf %jit3A_273 : f32 to bf16
      %broadcast_in_dim3A_275 = vector.shape_cast %lt3A_272 : vector<1x4096xi1> to vector<1x4096xi1>
      %broadcast_in_dim3A_276 = vector.broadcast %broadcast_in_dim3A_275 : vector<1x4096xi1> to vector<256x4096xi1>
      %broadcast_in_dim3A_277 = vector.broadcast %convert_element_type3A_274 : bf16 to vector<256x4096xbf16>
      %select_n3A_278 = arith.select %broadcast_in_dim3A_276, %convert_element_type3A_268, %broadcast_in_dim3A_277 : vector<256x4096xi1>, vector<256x4096xbf16>
      %slice3A_279 = vector.extract_strided_slice %select_n3A_278 {offsets = [0, 0], sizes = [256, 2048], strides = [1, 1]} : vector<256x4096xbf16> to vector<256x2048xbf16>
      %slice3A_280 = vector.extract_strided_slice %select_n3A_278 {offsets = [0, 2048], sizes = [256, 2048], strides = [1, 1]} : vector<256x4096xbf16> to vector<256x2048xbf16>
      %max3A_281 = arith.maximumf %slice3A_279, %slice3A_280 : vector<256x2048xbf16>
      %slice3A_282 = vector.extract_strided_slice %max3A_281 {offsets = [0, 0], sizes = [256, 1024], strides = [1, 1]} : vector<256x2048xbf16> to vector<256x1024xbf16>
      %slice3A_283 = vector.extract_strided_slice %max3A_281 {offsets = [0, 1024], sizes = [256, 1024], strides = [1, 1]} : vector<256x2048xbf16> to vector<256x1024xbf16>
      %max3A_284 = arith.maximumf %slice3A_282, %slice3A_283 : vector<256x1024xbf16>
      %slice3A_285 = vector.extract_strided_slice %max3A_284 {offsets = [0, 0], sizes = [256, 512], strides = [1, 1]} : vector<256x1024xbf16> to vector<256x512xbf16>
      %slice3A_286 = vector.extract_strided_slice %max3A_284 {offsets = [0, 512], sizes = [256, 512], strides = [1, 1]} : vector<256x1024xbf16> to vector<256x512xbf16>
      %max3A_287 = arith.maximumf %slice3A_285, %slice3A_286 : vector<256x512xbf16>
      %slice3A_288 = vector.extract_strided_slice %max3A_287 {offsets = [0, 0], sizes = [256, 256], strides = [1, 1]} : vector<256x512xbf16> to vector<256x256xbf16>
      %slice3A_289 = vector.extract_strided_slice %max3A_287 {offsets = [0, 256], sizes = [256, 256], strides = [1, 1]} : vector<256x512xbf16> to vector<256x256xbf16>
      %max3A_290 = arith.maximumf %slice3A_288, %slice3A_289 : vector<256x256xbf16>
      %slice3A_291 = vector.extract_strided_slice %max3A_290 {offsets = [0, 0], sizes = [256, 128], strides = [1, 1]} : vector<256x256xbf16> to vector<256x128xbf16>
      %slice3A_292 = vector.extract_strided_slice %max3A_290 {offsets = [0, 128], sizes = [256, 128], strides = [1, 1]} : vector<256x256xbf16> to vector<256x128xbf16>
      %max3A_293 = arith.maximumf %slice3A_291, %slice3A_292 : vector<256x128xbf16>
      %convert_element_type3A_294 = arith.extf %max3A_293 : vector<256x128xbf16> to vector<256x128xf32>
      %reduce_max3A_295 = arith.constant dense<0xFF800000> : vector<256xf32>
      %reduce_max3A_296 = vector.multi_reduction <maximumf>, %convert_element_type3A_294, %reduce_max3A_295 [1] : vector<256x128xf32> to vector<256xf32>
      %broadcast_in_dim3A_297 = vector.shape_cast %reduce_max3A_296 : vector<256xf32> to vector<256x1xf32>
      %get3A_298 = arith.constant 768 : index
      %get3A_299 = arith.constant 0 : index
      %get3A_300 = vector.load %arg10[%get3A_298, %get3A_299] : memref<1024x1xf32, #tpu.memory_space<vmem>>, vector<256x1xf32>
      %max3A_301 = arith.maximumf %get3A_300, %broadcast_in_dim3A_297 : vector<256x1xf32>
      %convert_element_type3A_302 = arith.truncf %max3A_301 : vector<256x1xf32> to vector<256x1xbf16>
      %slice3A_303 = vector.extract_strided_slice %select_n3A_278 {offsets = [0, 0], sizes = [256, 2048], strides = [1, 1]} : vector<256x4096xbf16> to vector<256x2048xbf16>
      %sub3A_304 = vector.broadcast %convert_element_type3A_302 : vector<256x1xbf16> to vector<256x2048xbf16>
      %sub3A_305 = arith.subf %slice3A_303, %sub3A_304 : vector<256x2048xbf16>
      %exp23A_306 = math.exp2 %sub3A_305 : vector<256x2048xbf16>
      %slice3A_307 = vector.extract_strided_slice %select_n3A_278 {offsets = [0, 2048], sizes = [256, 2048], strides = [1, 1]} : vector<256x4096xbf16> to vector<256x2048xbf16>
      %sub3A_308 = vector.broadcast %convert_element_type3A_302 : vector<256x1xbf16> to vector<256x2048xbf16>
      %sub3A_309 = arith.subf %slice3A_307, %sub3A_308 : vector<256x2048xbf16>
      %exp23A_310 = math.exp2 %sub3A_309 : vector<256x2048xbf16>
      %add3A_311 = arith.addf %exp23A_306, %exp23A_310 : vector<256x2048xbf16>
      %slice3A_312 = vector.extract_strided_slice %add3A_311 {offsets = [0, 0], sizes = [256, 1024], strides = [1, 1]} : vector<256x2048xbf16> to vector<256x1024xbf16>
      %slice3A_313 = vector.extract_strided_slice %add3A_311 {offsets = [0, 1024], sizes = [256, 1024], strides = [1, 1]} : vector<256x2048xbf16> to vector<256x1024xbf16>
      %add3A_314 = arith.addf %slice3A_312, %slice3A_313 : vector<256x1024xbf16>
      %slice3A_315 = vector.extract_strided_slice %add3A_314 {offsets = [0, 0], sizes = [256, 512], strides = [1, 1]} : vector<256x1024xbf16> to vector<256x512xbf16>
      %slice3A_316 = vector.extract_strided_slice %add3A_314 {offsets = [0, 512], sizes = [256, 512], strides = [1, 1]} : vector<256x1024xbf16> to vector<256x512xbf16>
      %add3A_317 = arith.addf %slice3A_315, %slice3A_316 : vector<256x512xbf16>
      %slice3A_318 = vector.extract_strided_slice %add3A_317 {offsets = [0, 0], sizes = [256, 256], strides = [1, 1]} : vector<256x512xbf16> to vector<256x256xbf16>
      %slice3A_319 = vector.extract_strided_slice %add3A_317 {offsets = [0, 256], sizes = [256, 256], strides = [1, 1]} : vector<256x512xbf16> to vector<256x256xbf16>
      %add3A_320 = arith.addf %slice3A_318, %slice3A_319 : vector<256x256xbf16>
      %slice3A_321 = vector.extract_strided_slice %add3A_320 {offsets = [0, 0], sizes = [256, 128], strides = [1, 1]} : vector<256x256xbf16> to vector<256x128xbf16>
      %slice3A_322 = vector.extract_strided_slice %add3A_320 {offsets = [0, 128], sizes = [256, 128], strides = [1, 1]} : vector<256x256xbf16> to vector<256x128xbf16>
      %add3A_323 = arith.addf %slice3A_321, %slice3A_322 : vector<256x128xbf16>
      %convert_element_type3A_324 = arith.extf %add3A_323 : vector<256x128xbf16> to vector<256x128xf32>
      %reduce_sum3A_325 = arith.constant dense<0.000000e+00> : vector<256xf32>
      %reduce_sum3A_326 = vector.multi_reduction <add>, %convert_element_type3A_324, %reduce_sum3A_325 [1] : vector<256x128xf32> to vector<256xf32>
      %broadcast_in_dim3A_327 = vector.shape_cast %reduce_sum3A_326 : vector<256xf32> to vector<256x1xf32>
      %get3A_328 = arith.constant 768 : index
      %get3A_329 = arith.constant 0 : index
      %get3A_330 = vector.load %arg11[%get3A_328, %get3A_329] : memref<1024x1xf32, #tpu.memory_space<vmem>>, vector<256x1xf32>
      %sub3A_331 = arith.subf %get3A_300, %max3A_301 : vector<256x1xf32>
      %exp23A_332 = math.exp2 %sub3A_331 : vector<256x1xf32>
      %mul3A_333 = arith.mulf %get3A_330, %exp23A_332 : vector<256x1xf32>
      %add3A_334 = arith.addf %mul3A_333, %broadcast_in_dim3A_327 : vector<256x1xf32>
      %swap3A_335 = arith.constant 768 : index
      %swap3A_336 = arith.constant 0 : index
      %swap3A_337 = vector.load %arg11[%swap3A_335, %swap3A_336] : memref<1024x1xf32, #tpu.memory_space<vmem>>, vector<256x1xf32>
      tpu.vector_store %arg11[%swap3A_335, %swap3A_336], %add3A_334 {strides = array<i32>} : memref<1024x1xf32, #tpu.memory_space<vmem>>, vector<256x1xf32>,
      %swap3A_338 = arith.constant 768 : index
      %swap3A_339 = arith.constant 0 : index
      %swap3A_340 = vector.load %arg10[%swap3A_338, %swap3A_339] : memref<1024x1xf32, #tpu.memory_space<vmem>>, vector<256x1xf32>
      tpu.vector_store %arg10[%swap3A_338, %swap3A_339], %max3A_301 {strides = array<i32>} : memref<1024x1xf32, #tpu.memory_space<vmem>>, vector<256x1xf32>,
    } else {
    }
    %eq3A_22 = arith.constant 26 : i32
    %eq3A_23 = arith.cmpi eq, %arg0, %eq3A_22 : i32
    %convert_element_type3A_24 = arith.extui %eq3A_23 : i1 to i32
    %cond3A_25 = arith.constant 0 : i32
    %cond3A_26 = arith.cmpi ne, %convert_element_type3A_24, %cond3A_25 : i32
    scf.if %cond3A_26 {
      %get3A = arith.constant 0 : index
      %get3A_27 = arith.constant 0 : index
      %get3A_28 = vector.load %arg5[%get3A, %get3A_27] : memref<1024x1xi32, #tpu.memory_space<vmem>>, vector<1024x1xi32>
      %sub3A = arith.constant 1 : i32
      %sub3A_29 = vector.broadcast %sub3A : i32 to vector<1024x1xi32>
      %sub3A_30 = arith.subi %get3A_28, %sub3A_29 : vector<1024x1xi32>
      %get3A_31 = arith.constant 0 : index
      %get3A_32 = arith.constant 0 : index
      %get3A_33 = vector.load %arg1[%get3A_31, %get3A_32] : memref<1024x128xbf16, #tpu.memory_space<vmem>>, vector<1024x128xbf16>
      %convert_element_type3A_34 = arith.extf %get3A_33 : vector<1024x128xbf16> to vector<1024x128xf32>
      %get3A_35 = arith.constant 0 : index
      %get3A_36 = arith.constant 0 : index
      %get3A_37 = vector.load %arg7[%get3A_35, %get3A_36] : memref<1024x128xf32, #tpu.memory_space<vmem>>, vector<1024x128xf32>
      %mul3A = arith.mulf %convert_element_type3A_34, %get3A_37 : vector<1024x128xf32>
      %reduce_sum3A = arith.constant dense<0.000000e+00> : vector<1024xf32>
      %reduce_sum3A_38 = vector.multi_reduction <add>, %mul3A, %reduce_sum3A [1] : vector<1024x128xf32> to vector<1024xf32>
      %broadcast_in_dim3A = vector.shape_cast %reduce_sum3A_38 : vector<1024xf32> to vector<1024x1xf32>
      %iota3A = tpu.iota {dimensions = array<i32: 1>} : vector<1x128xi32>
      %get3A_39 = arith.constant 0 : index
      %get3A_40 = arith.constant 0 : index
      %get3A_41 = vector.load %arg6[%get3A_39, %get3A_40] : memref<1024x1xi32, #tpu.memory_space<vmem>>, vector<1024x1xi32>
      %eq3A_42 = vector.broadcast %iota3A : vector<1x128xi32> to vector<1024x128xi32>
      %eq3A_43 = vector.broadcast %get3A_41 : vector<1024x1xi32> to vector<1024x128xi32>
      %eq3A_44 = arith.cmpi eq, %eq3A_42, %eq3A_43 : vector<1024x128xi32>
      %get3A_45 = arith.constant 0 : index
      %get3A_46 = arith.constant 0 : index
      %get3A_47 = vector.load %arg8[%get3A_45, %get3A_46] : memref<1024x128xf32, #tpu.memory_space<vmem>>, vector<1024x128xf32>
      %jit3A = arith.constant 0.000000e+00 : f32
      %broadcast_in_dim3A_48 = vector.broadcast %jit3A : f32 to vector<1024x128xf32>
      %select_n3A = arith.select %eq3A_44, %get3A_47, %broadcast_in_dim3A_48 : vector<1024x128xi1>, vector<1024x128xf32>
      %reduce_sum3A_49 = arith.constant dense<0.000000e+00> : vector<1024xf32>
      %reduce_sum3A_50 = vector.multi_reduction <add>, %select_n3A, %reduce_sum3A_49 [1] : vector<1024x128xf32> to vector<1024xf32>
      %broadcast_in_dim3A_51 = vector.shape_cast %reduce_sum3A_50 : vector<1024xf32> to vector<1024x1xf32>
      %mul3A_52 = arith.constant -0.00999999977 : f32
      %mul3A_53 = vector.broadcast %mul3A_52 : f32 to vector<1024x1xf32>
      %mul3A_54 = arith.mulf %mul3A_53, %broadcast_in_dim3A_51 : vector<1024x1xf32>
      %exp3A = math.exp %mul3A_54 : vector<1024x1xf32>
      %mul3A_55 = arith.constant 43.2808495 : f32
      %mul3A_56 = vector.broadcast %mul3A_55 : f32 to vector<1024x1xf32>
      %mul3A_57 = arith.mulf %exp3A, %mul3A_56 : vector<1024x1xf32>
      %mul3A_58 = arith.mulf %broadcast_in_dim3A, %mul3A_57 : vector<1024x1xf32>
      %get3A_59 = arith.constant 0 : index
      %get3A_60 = arith.constant 0 : index
      %get3A_61 = vector.load %arg10[%get3A_59, %get3A_60] : memref<1024x1xf32, #tpu.memory_space<vmem>>, vector<1024x1xf32>
      %get3A_62 = arith.constant 0 : index
      %get3A_63 = arith.constant 0 : index
      %get3A_64 = vector.load %arg11[%get3A_62, %get3A_63] : memref<1024x1xf32, #tpu.memory_space<vmem>>, vector<1024x1xf32>
      %log3A = math.log %get3A_64 : vector<1024x1xf32>
      %log3A_65 = arith.constant 2.000000e+00 : f32
      %log3A_66 = math.log %log3A_65 : f32
      %div3A = vector.broadcast %log3A_66 : f32 to vector<1024x1xf32>
      %div3A_67 = arith.divf %log3A, %div3A : vector<1024x1xf32>
      %add3A = arith.addf %get3A_61, %div3A_67 : vector<1024x1xf32>
      %sub3A_68 = arith.subf %add3A, %mul3A_58 : vector<1024x1xf32>
      %mul3A_69 = arith.constant 0.693147182 : f32
      %mul3A_70 = vector.broadcast %mul3A_69 : f32 to vector<1024x1xf32>
      %mul3A_71 = arith.mulf %sub3A_68, %mul3A_70 : vector<1024x1xf32>
      %ge3A_72 = arith.constant 0 : i32
      %ge3A_73 = vector.broadcast %ge3A_72 : i32 to vector<1024x1xi32>
      %ge3A_74 = arith.cmpi sge, %sub3A_30, %ge3A_73 : vector<1024x1xi32>
      %ne3A = arith.constant 5554 : i32
      %ne3A_75 = vector.broadcast %ne3A : i32 to vector<1024x1xi32>
      %ne3A_76 = arith.cmpi ne, %sub3A_30, %ne3A_75 : vector<1024x1xi32>
      %and3A_77 = arith.andi %ge3A_74, %ne3A_76 : vector<1024x1xi1>
      %convert_element_type3A_78 = arith.extui %and3A_77 : vector<1024x1xi1> to vector<1024x1xi32>
      %convert_element_type3A_79 = arith.sitofp %convert_element_type3A_78 : vector<1024x1xi32> to vector<1024x1xf32>
      %mul3A_80 = arith.mulf %mul3A_71, %convert_element_type3A_79 : vector<1024x1xf32>
      %reduce_sum3A_81 = vector.shape_cast %mul3A_80 : vector<1024x1xf32> to vector<1x1024x1xf32>
      %reduce_sum3A_82 = arith.constant dense<0.000000e+00> : vector<1xf32>
      %reduce_sum3A_83 = vector.multi_reduction <add>, %reduce_sum3A_81, %reduce_sum3A_82 [1, 2] : vector<1x1024x1xf32> to vector<1xf32>
      %reduce_sum3A_84 = vector.shape_cast %reduce_sum3A_83 : vector<1xf32> to vector<1x1x1xf32>
      %reduce_sum3A_85 = vector.extract %reduce_sum3A_84[0, 0, 0] : f32 from vector<1x1x1xf32>
      %broadcast_in_dim3A_86 = vector.broadcast %reduce_sum3A_85 : f32 to vector<1x1xf32>
      %reduce_sum3A_87 = vector.shape_cast %convert_element_type3A_79 : vector<1024x1xf32> to vector<1x1024x1xf32>
      %reduce_sum3A_88 = arith.constant dense<0.000000e+00> : vector<1xf32>
      %reduce_sum3A_89 = vector.multi_reduction <add>, %reduce_sum3A_87, %reduce_sum3A_88 [1, 2] : vector<1x1024x1xf32> to vector<1xf32>
      %reduce_sum3A_90 = vector.shape_cast %reduce_sum3A_89 : vector<1xf32> to vector<1x1x1xf32>
      %reduce_sum3A_91 = vector.extract %reduce_sum3A_90[0, 0, 0] : f32 from vector<1x1x1xf32>
      %broadcast_in_dim3A_92 = vector.broadcast %reduce_sum3A_91 : f32 to vector<1x1xf32>
      %max3A = arith.constant 1.000000e+00 : f32
      %max3A_93 = vector.broadcast %max3A : f32 to vector<1x1xf32>
      %max3A_94 = arith.maximumf %broadcast_in_dim3A_92, %max3A_93 : vector<1x1xf32>
      %div3A_95 = arith.divf %broadcast_in_dim3A_86, %max3A_94 : vector<1x1xf32>
      %swap3A = arith.constant 0 : index
      %swap3A_96 = arith.constant 0 : index
      %swap3A_97 = vector.load %arg9[%swap3A, %swap3A_96] : memref<1x1xf32, #tpu.memory_space<vmem>>, vector<1x1xf32>
      tpu.vector_store %arg9[%swap3A, %swap3A_96], %div3A_95 {strides = array<i32>} : memref<1x1xf32, #tpu.memory_space<vmem>>, vector<1x1xf32>,
    } else {
    }
    return
  }
  func.func @transform_0(%arg0: i32) -> (i32, i32) {
    %c0_i32 = arith.constant 0 : i32
    %c0_i32_0 = arith.constant 0 : i32
    %c0_i32_1 = arith.constant 0 : i32
    return %c0_i32, %c0_i32_0 : i32, i32
  }
  func.func @transform_1(%arg0: i32) -> (i32, i32) {
    %min3A = arith.constant 24 : i32
    %min3A_0 = arith.minsi %arg0, %min3A : i32
    %c0_i32 = arith.constant 0 : i32
    %c0_i32_1 = arith.constant 0 : i32
    return %min3A_0, %c0_i32 : i32, i32
  }
  func.func @transform_2(%arg0: i32) -> (i32, i32) {
    %sub3A = arith.constant 25 : i32
    %sub3A_0 = arith.subi %arg0, %sub3A : i32
    %max3A = arith.constant 0 : i32
    %max3A_1 = arith.maxsi %sub3A_0, %max3A : i32
    %c0_i32 = arith.constant 0 : i32
    %c0_i32_2 = arith.constant 0 : i32
    return %max3A_1, %c0_i32 : i32, i32
  }
  func.func @transform_3(%arg0: i32) -> (i32, i32, i32) {
    %c0_i32 = arith.constant 0 : i32
    %c0_i32_0 = arith.constant 0 : i32
    %c0_i32_1 = arith.constant 0 : i32
    return %arg0, %c0_i32, %c0_i32_0 : i32, i32, i32
  }
  func.func @transform_4(%arg0: i32) -> (i32, i32) {
    %c0_i32 = arith.constant 0 : i32
    %c0_i32_0 = arith.constant 0 : i32
    %c0_i32_1 = arith.constant 0 : i32
    return %c0_i32, %c0_i32_0 : i32, i32
  }
  func.func @transform_5(%arg0: i32) -> (i32, i32) {
    %c0_i32 = arith.constant 0 : i32
    %c0_i32_0 = arith.constant 0 : i32
    %c0_i32_1 = arith.constant 0 : i32
    return %c0_i32, %c0_i32_0 : i32, i32
  }
  func.func @transform_6(%arg0: i32) -> (i32, i32) {
    %c0_i32 = arith.constant 0 : i32
    %c0_i32_0 = arith.constant 0 : i32
    %c0_i32_1 = arith.constant 0 : i32
    return %c0_i32, %c0_i32_0 : i32, i32
  }
  func.func @transform_7(%arg0: i32) -> (i32, i32) {
    %c0_i32 = arith.constant 0 : i32
    %c0_i32_0 = arith.constant 0 : i32
    %c0_i32_1 = arith.constant 0 : i32
    return %c0_i32, %c0_i32_0 : i32, i32
  }
  func.func @transform_8(%arg0: i32) -> (i32, i32) {
    %c0_i32 = arith.constant 0 : i32
    %c0_i32_0 = arith.constant 0 : i32
    %c0_i32_1 = arith.constant 0 : i32
    return %c0_i32, %c0_i32_0 : i32, i32
  }
}

</mosaic_0001>

<sc_bundles>
// kernel: kernel.4.cloned.1.call-start
scs
__scs_entry_jumppad:
0x0: {  	(pc) =	sbr.rel $0x88, $3  }
0x1: {  	(tag) =	ssettag $0x0;
	lr =	simm.s32 $0x1  }
0x2: {  	[smem:$0x3F9C] =	sst lr;
	_ =	strace $0xD0000000  }
0x3: {  	_ = 	snop  }
0x4: {  	_ = 	snop  }
0x5: {  	_ = 	snop  }
0x6: {  	_ = 	snop  }
0x7: {  	_ = 	snop  }
__scs_overlays_trampoline_lowered:
0x8: {  	[smem:$0x3FAB] =	sst s0  }
0x9: {  	[smem:$0x3FAC] =	sst s1  }
0xa: {  	[smem:$0x3FAD] =	sst s2  }
0xb: {  	[smem:$0x3FAE] =	sst s3  }
0xc: {  	[smem:$0x3FAF] =	sst s4  }
0xd: {  	[smem:$0x3FB0] =	sst s5  }
0xe: {  	[smem:$0x3FB1] =	sst s6  }
0xf: {  	[smem:$0x3FB2] =	sst s7  }
0x10: {  	[smem:$0x3FB3] =	sst s8  }
0x11: {  	[smem:$0x3FB4] =	sst s9;
	s0 =	simm.s32 @!p0 $0x0  }
0x12: {  	s1 =	sld [smem:$0x3F9A];
	s0 =	simm.s32 @p0 $0x1  }
0x13: {  	[smem:$0x3FB5] =	sst s0;
	s0 =	simm.s32 @!p1 $0x0  }
0x14: {  	s2 =	sld [smem:$0x3F99];
	s0 =	simm.s32 @p1 $0x1  }
0x15: {  	[smem:$0x3FB6] =	sst s0;
	s0 =	simm.s32 @!p2 $0x0  }
0x16: {  	s3 =	sld [smem:$0x3FDB];
	s0 =	simm.s32 @p2 $0x1  }
0x17: {  	s4 =	simm.s32 $0x1BF5;
	[smem:$0x3FB8] =	sst s0  }
0x18: {  	s0 =	sld [smem:$0x3F9B];
	_ =	swait.ge [sflag:s4], $0x0  }
0x19: {  	s7 =	sld [smem:$0x3F9C]  }
0x1a: {  	s8 =	sadd.s32 $0xFFFFE003, lr  }
0x1b: {  	s9 =	sadd.s32 $0xFFFFFEF7, lr;
	s5 =	simm.s32 $0xFFFFFFFF;
	p2 =	slt.u32 s8, $0xFFFFF086  }
0x1c: {  	p1 =	slt.u32 s9, $0xF7A;
	s5 =	simm.s32 @!p2 $0x0  }
0x1d: {  	s5 =	simm.s32 @p1 $0x1;
	p0 =	seq.s32 s7, s2  }
0x1e: {  	s7 =	smul.u32 @!p0 $0xF7A, s2;
	p2 =	seq.s32 @!p0 s5, $0x0  }
0x1f: {  	s9 =	smul.u32 $0xF7A, s1;
	s8 =	simm.s32 @!p0 $0x1BF5;
	p2 =	por !p2, p0  }
0x20: {  	[sflag:s8] =	ssyncset.s32 @!p0 $0xFFFFF086;
	s6 =	sadd.s32 @!p0 s3, s7;
	s7 =	simm.s32 @!p0 $0x108  }
0x21: {  	s3 =	sadd.s32 s3, s9;
	s6 =	sadd.s32 @!p0 $0x88, s6;
	s7 =	simm.s32 @p2 $0x1082  }
0x22: {  	[simem:s7], [sflag:s8] =	dma.local @!p0 [hbm:s6], $0xF7A  }
0x23: {  	s9 =	sor.u32 $0xD0000000, s2;
	s6 =	simm.s32 $0x108;
	_ =	swait.ge @!p0 [sflag:s8], $0x0  }
0x24: {  	s3 =	sadd.s32 $0x88, s3;
	s6 =	simm.s32 @!p1 $0x1082;
	[sflag:s4] =	ssyncset.s32 $0xFFFFF086  }
0x25: {  	[simem:s6], [sflag:s4] =	dma.local [hbm:s3], $0xF7A  }
0x26: {  	[smem:$0x3F9C] =	sst s1;
	(tag) =	ssettag s2;
	_ =	strace s9  }
0x27: {  	s1 =	sld [smem:$0x3FAC]  }
0x28: {  	s2 =	sld [smem:$0x3FAD]  }
0x29: {  	s4 =	sld [smem:$0x3FAF]  }
0x2a: {  	p0 =	seq.s32 s5, $0x0;
	s5 =	sld [smem:$0x3FB0]  }
0x2b: {  	s6 =	sld [smem:$0x3FB1]  }
0x2c: {  	s7 =	sld [smem:$0x3FB2]  }
0x2d: {  	s3 =	simm.s32 $0x108;
	s8 =	sld [smem:$0x3FB3]  }
0x2e: {  	s3 =	simm.s32 @!p0 $0x1082;
	s9 =	sld [smem:$0x3FB4]  }
0x2f: {  	lr =	sadd.s32 s0, s3;
	s0 =	sld [smem:$0x3FAB]  }
0x30: {  	s3 =	sld [smem:$0x3FAE]  }
0x31: {  	[smem:$0x3FB7] =	sst s10  }
0x32: {  	s10 =	sld [smem:$0x3FB5];
	_ =	sdelay $0x3  }
0x33: {  	p0 =	seq.s32 s10, $0x1;
	s10 =	sld [smem:$0x3FB7];
	_ =	sdelay $0x3  }
0x34: {  	[smem:$0x3FB7] =	sst s10  }
0x35: {  	s10 =	sld [smem:$0x3FB6];
	_ =	sdelay $0x3  }
0x36: {  	p1 =	seq.s32 s10, $0x1;
	s10 =	sld [smem:$0x3FB7];
	_ =	sdelay $0x3  }
0x37: {  	[smem:$0x3FB7] =	sst s10  }
0x38: {  	s10 =	sld [smem:$0x3FB8]  }
0x39: {  	_ = 	snop;
	(pc) =	sbr.ind lr, $3  }
0x3a: {  	_ = 	snop  }
0x3b: {  	_ = 	snop  }
0x3c: {  	p2 =	seq.s32 s10, $0x1;
	s10 =	sld [smem:$0x3FB7]  }
0x3d: {  	_ =	shalt  }
0x3e: {  	_ =	shalt  }
0x3f: {  	_ =	shalt  }
0x40: {  	_ =	shalt  }
0x41: {  	_ =	shalt  }
0x42: {  	_ =	shalt  }
0x43: {  	_ =	shalt  }
0x44: {  	_ =	shalt  }
0x45: {  	_ =	shalt  }
0x46: {  	_ =	shalt  }
0x47: {  	_ =	shalt  }
0x48: {  	_ =	shalt  }
0x49: {  	_ =	shalt  }
0x4a: {  	_ =	shalt  }
0x4b: {  	_ =	shalt  }
0x4c: {  	_ =	shalt  }
0x4d: {  	_ =	shalt  }
0x4e: {  	_ =	shalt  }
0x4f: {  	_ =	shalt  }
0x50: {  	_ =	shalt  }
0x51: {  	_ =	shalt  }
0x52: {  	_ =	shalt  }
0x53: {  	_ =	shalt  }
0x54: {  	_ =	shalt  }
0x55: {  	_ =	shalt  }
0x56: {  	_ =	shalt  }
0x57: {  	_ =	shalt  }
0x58: {  	_ =	shalt  }
0x59: {  	_ =	shalt  }
0x5a: {  	_ =	shalt  }
0x5b: {  	_ =	shalt  }
0x5c: {  	_ =	shalt  }
0x5d: {  	_ =	shalt  }
0x5e: {  	_ =	shalt  }
0x5f: {  	_ =	shalt  }
0x60: {  	_ =	shalt  }
0x61: {  	_ =	shalt  }
0x62: {  	_ =	shalt  }
0x63: {  	_ =	shalt  }
0x64: {  	_ =	shalt  }
0x65: {  	_ =	shalt  }
0x66: {  	_ =	shalt  }
0x67: {  	_ =	shalt  }
0x68: {  	_ =	shalt  }
0x69: {  	_ =	shalt  }
0x6a: {  	_ =	shalt  }
0x6b: {  	_ =	shalt  }
0x6c: {  	_ =	shalt  }
0x6d: {  	_ =	shalt  }
0x6e: {  	_ =	shalt  }
0x6f: {  	_ =	shalt  }
0x70: {  	_ =	shalt  }
0x71: {  	_ =	shalt  }
0x72: {  	_ =	shalt  }
0x73: {  	_ =	shalt  }
0x74: {  	_ =	shalt  }
0x75: {  	_ =	shalt  }
0x76: {  	_ =	shalt  }
0x77: {  	_ =	shalt  }
0x78: {  	_ =	shalt  }
0x79: {  	_ =	shalt  }
0x7a: {  	_ =	shalt  }
0x7b: {  	_ =	shalt  }
0x7c: {  	_ =	shalt  }
0x7d: {  	_ =	shalt  }
0x7e: {  	_ =	shalt  }
0x7f: {  	_ =	shalt  }
0x80: {  	_ =	shalt  }
0x81: {  	_ =	shalt  }
0x82: {  	_ =	shalt  }
0x83: {  	_ =	shalt  }
0x84: {  	_ =	shalt  }
0x85: {  	_ =	shalt  }
0x86: {  	_ =	shalt  }
0x87: {  	_ =	shalt  }
.Lfunc_end0:
.L_simem_size_0:
called_computation_lowered:
.L_overlay_start_0:
0x88: {  	s2 =	sld [smem:$0x3FD9]  }
0x89: {  	s3 =	sld [smem:$0x3FFE];
	_ =	sdelay $0x1  }
0x8a: {  	s1 =	srdreg.scid  }
0x8b: {  	s0 =	sand.u32 $0x1, s1  }
0x8c: {  	s17 =	sshll.u32 s0, $0xA;
	s2 =	sadd.s32 s3, s2  }
0x8d: {  	s2 =	sadd.s32 s2, s17  }
0x8e: {  	[smem:$0x3FC3] =	sst s2  }
0x8f: {  	_ = 	snop  }
0x90: {  	s2 =	sld [smem:$0x3FC7];
	(tm) =	ssettm $0x1  }
0x91: {  	s18 =	sld [smem:$0x3FFB];
	_ =	sdelay $0x3  }
0x92: {  	_ =	strace s18  }
0x93: {  	s3 =	sld [smem:$0x3FFC];
	_ =	sdelay $0x3  }
0x94: {  	_ =	strace s3  }
0x95: {  	s3 =	sld [smem:$0x3FFD];
	_ =	sdelay $0x3  }
0x96: {  	_ =	strace s3  }
0x97: {  	_ =	strace $0x8FFFFFFF  }
0x98: {  	s19 =	sld [smem:$0x3FDB];
	_ =	sdelay $0x1  }
0x99: {  	s4 =	simm.s32 $_scs_section_size  }
0x9a: {  	s5 =	simm.s32 $_size__tile_overlayer_lowered;
	s6 =	simm.s32 $_tile_overlayer_lowered  }
0x9b: {  	s22 =	simm.s32 $0x1BFF;
	s21 =	sshll.u32 s6, $0x1;
	s3 =	sadd.s32 s4, s19  }
0x9c: {  	s7 =	simm.s32 $0x0;
	s20 =	sshll.u32 s5, $0x1;
	s5 =	sadd.s32 s21, s3  }
0x9d: {  	[timem:s7], [sflag:s22] =	dma.local [hbm:s5], s20  }
0x9e: {  	_ =	swait.ge [sflag:s22], s20  }
0x9f: {  	s4 =	ssub.s32 $0x0, s20;
	[sflag:s22] =	ssyncset.done $0x0  }
0xa0: {  	[sflag:s22] =	ssyncadd.s32 s4;
	_ =	sdelay $0x1  }
0xa1: {  	s23 =	simm.s32 $0x1B8B  }
0xa2: {  	_ =	swait.ge [sflag:s23], $0x1  }
0xa3: {  	[sflag:s23] =	ssyncset.done $0x0  }
0xa4: {  	s25 =	simm.s32 $0x1B8E;
	s24 =	sld [smem:$0x3FFE];
	[sflag:s23] =	ssyncadd.s32 $0xFFFFFFFF  }
0xa5: {  	s26 =	simm.s32 $execute0_lowered;
	[smem:$0x3FD2] =	sst s25  }
0xa6: {  	s5 =	sshll.u32 s26, $0x1;
	_ =	strace $0x80000046;
	[dreg:$0x1] =	wrdreg $0xFFFFFFFF  }
0xa7: {  	s28 =	simm.s32 $_size_execute0_lowered;
	s3 =	sadd.s32 s3, s5;
	[dreg:$0x0] =	wrdreg $0x0  }
0xa8: {  	s5 =	sshll.u32 s28, $0x1;
	[dreg:$0x2] =	wrdreg s3  }
0xa9: {  	[dreg:$0x3] =	wrdreg s5  }
0xaa: {  	[dreg:$0x4] =	wrdreg $0xC0  }
0xab: {  	_ =	task [dreg:s7], $0x5FFFF  }
0xac: {  	[dreg:$0x1] =	wrdreg $0xFFFFFFFF  }
0xad: {  	[dreg:$0x0] =	wrdreg $0x60  }
0xae: {  	[dreg:$0x2] =	wrdreg s2  }
0xaf: {  	[dreg:$0x3] =	wrdreg s24  }
0xb0: {  	[dreg:$0x4] =	wrdreg $0x9  }
0xb1: {  	_ =	task.clear_ibuf [dreg:s7], $0x5FFFF;
	_ =	strace $0x90000046  }
0xb2: {  	s29 =	simm.s32 $0x9;
	_ =	strace $0x80000048  }
0xb3: {  	_ =	swait.ge [sflag:s29], $0x1  }
0xb4: {  	[sflag:s29] =	ssyncadd.s32 $0xFFFFFFFF  }
0xb5: {  	_ =	strace $0x90000048  }
0xb6: {  	_ =	sfence  }
0xb7: {  	s30 =	sld [smem:$0x0];
	_ =	sdelay $0x2  }
0xb8: {  	s31 =	sshll.u32 s1, $0xD;
	s1 =	sshrl.u32 s1, $0x2  }
0xb9: {  	s3 =	sand.u32 $0x4000, s31;
	s1 =	sadd.s32 s1, s30  }
0xba: {  	s0 =	sor.u32 s3, s0;
	s1 =	sshll.u32 s1, $0x11  }
0xbb: {  	s0 =	sor.u32 s1, s0  }
0xbc: {  	s0 =	sadd.s32 $0x8F2B, s0  }
0xbd: {  	[sflag:s0] =	ssyncadd.remote.s32 $0x1  }
0xbe: {  	_ =	sfence.sel $0xFFFF  }
0xbf: {  	[dreg:$0x0] =	wrdreg $0xFFFFFFFF;
	(pc) =	sbr.abs _section_cstart, $3  }
0xc0: {  	[dreg:$0x1] =	wrdreg $0xFFFFFFFF  }
0xc1: {  	_ =	task.clear_ibuf [dreg:s7], $0x2FFFF;
	_ =	strace $0x9FFFFFFF  }
0xc2: {  	(tm) =	ssettm $0x7FFFFFFF  }
0xc3: {  	_ =	shalt  }
tec
execute0_lowered:
.L_overlay_start_1:
0x0: {  	(tag) =	ssettag $0x1  }
0x1: {  	s1 =	srdreg.scid  }
0x2: {  	s0 =	stileid.u32;
	s14 =	sand.u32 $0x1, s1  }
0x3: {  	s2 =	rddreg [dreg:$0x0];
	s30 =	sshll.u32 s0, $0x6;
	s3 =	sshll.u32 s14, $0x5  }
0x4: {  	s15 =	rddreg [dreg:$0x1];
	s16 =	sor.u32 s3, s30  }
0x5: {  	s1 =	rddreg [dreg:$0x2];
	s3 =	simm.s32 $0x0;
	s4 =	sshrl.u32 s16, $0x3  }
0x6: {  	[smem:$0x7FF] =	sst s3;
	s6 =	sadd.s32 s4, s15  }
0x7: {  	_ =	strace $0x80000047;
	s4 =	simm.s32 $0x3;
	s5 =	sadd.s32 $0x1800, s6  }
0x8: {  	[tilespmem:s3], [sflag:$0x3] =	stream.linear.gather [hbm4b:s5+s3], $0x20, $0x38;
	[tilespmem:$0x2100] =	vst v63  }
0x9: {  	_ =	swait.ge [sflag:s4], $0x20  }
0xa: {  	[sflag:s4] =	ssyncset.done $0x0  }
0xb: {  	s7 =	simm.s32 $0x80;
	s6 =	sadd.s32 $0x1A00, s6;
	[sflag:s4] =	ssyncadd.s32 $0xFFFFFFE0  }
0xc: {  	[tilespmem:s7], [sflag:$0x3] =	stream.linear.gather [hbm4b:s6+s3], $0x20, $0x38;
	[tilespmem:$0x2100] =	vst v63  }
0xd: {  	_ =	swait.ge [sflag:s4], $0x20  }
0xe: {  	[sflag:s4] =	ssyncset.done $0x0  }
0xf: {  	s8 =	simm.s32 $0x20;
	s9 =	simm.s32 $0x100;
	[sflag:s4] =	ssyncadd.s32 $0xFFFFFFE0  }
0x10: {  	[tilespmem:s9], [sflag:$0x1] =	stream.indirect.gather [hbm4b:s2+s8], $0x80, s3, s8, $0xb8;
	[tilespmem:$0x2100] =	vst v63  }
0x11: {  	s11 =	simm.s32 $0x1100;
	s12 =	simm.s32 $0x1;
	s10 =	sadd.s32 $0x1C00, s15  }
0x12: {  	[tilespmem:s11], [sflag:$0x2] =	stream.indirect.gather [hbm4b:s10+s8], $0x80, s7, s8, $0xb8;
	[tilespmem:$0x2100] =	vst v63  }
0x13: {  	_ =	swait.ge [sflag:s12], $0x1000  }
0x14: {  	[sflag:s12] =	ssyncset.done $0x0  }
0x15: {  	s13 =	simm.s32 $0x2;
	s31 =	ssub.s32 $0x2, s14;
	[sflag:s12] =	ssyncadd.s32 $0xFFFFF000  }
0x16: {  	s17 =	sshrl.u32 s31, $0x1;
	s16 =	sshll.u32 s16, $0x4;
	_ =	swait.ge [sflag:s13], $0x1000  }
0x17: {  	s15 =	sadd.s32 s16, s15;
	s16 =	ssub.s32 s31, s17;
	[sflag:s13] =	ssyncset.done $0x0  }
0x18: {  	s14 =	sadd.s32 $0x4E00, s15;
	s16 =	smax.u32 s16, $0x1;
	[sflag:s13] =	ssyncadd.s32 $0xFFFFF000  }
0x19: {  	[hbm4b:s14+s3] =	stream.linear.scatter [tilespmem:s9], [sflag:$0x3], $0x1000, $0x38;
	[tilespmem:$0x2100] =	vst v63  }
0x1a: {  	p0 =	sne.s32 s16, $0x1;
	_ =	swait.ge [sflag:s4], $0x1000  }
.Ltmp0:
0x1b: {  	[sflag:s4] =	ssyncset.done $0x0;
	(pc) =	sbr.rel @!p0 .LBB2_2-.Ltmp0, $4  }
0x1c: {  	s15 =	sadd.s32 $0x8E00, s15;
	[sflag:s4] =	ssyncadd.s32 $0xFFFFF000  }
0x1d: {  	[hbm4b:s15+s3] =	stream.linear.scatter [tilespmem:s11], [sflag:$0x3], $0x1000, $0x38;
	[tilespmem:$0x2100] =	vst v63  }
0x1e: {  	_ =	swait.ge [sflag:s4], $0x1000  }
0x1f: {  	s16 =	sadd.s32 $0xFFFFFFFF, s16;
	[sflag:s4] =	ssyncset.done $0x0  }
.LBB2_1:
0x20: {  	p0 =	sne.s32 s16, $0x1;
	s16 =	sadd.s32 $0xFFFFFFFF, s16;
	[sflag:s4] =	ssyncadd.s32 $0xFFFFF000  }
0x21: {  	[tilespmem:s3], [sflag:$0x3] =	stream.linear.gather [hbm4b:s5+s3], $0x20, $0x38;
	[tilespmem:$0x2100] =	vst v63  }
0x22: {  	_ =	swait.ge [sflag:s4], $0x20  }
0x23: {  	[sflag:s4] =	ssyncset.done $0x0  }
0x24: {  	[sflag:s4] =	ssyncadd.s32 $0xFFFFFFE0  }
0x25: {  	[tilespmem:s7], [sflag:$0x3] =	stream.linear.gather [hbm4b:s6+s3], $0x20, $0x38;
	[tilespmem:$0x2100] =	vst v63  }
0x26: {  	_ =	swait.ge [sflag:s4], $0x20  }
0x27: {  	[sflag:s4] =	ssyncset.done $0x0  }
0x28: {  	[sflag:s4] =	ssyncadd.s32 $0xFFFFFFE0  }
0x29: {  	[tilespmem:s9], [sflag:$0x1] =	stream.indirect.gather [hbm4b:s2+s8], $0x80, s3, s8, $0xb8;
	[tilespmem:$0x2100] =	vst v63  }
0x2a: {  	_ = 	snop  }
0x2b: {  	[tilespmem:s11], [sflag:$0x2] =	stream.indirect.gather [hbm4b:s10+s8], $0x80, s7, s8, $0xb8;
	[tilespmem:$0x2100] =	vst v63  }
0x2c: {  	_ =	swait.ge [sflag:s12], $0x1000  }
0x2d: {  	[sflag:s12] =	ssyncset.done $0x0  }
0x2e: {  	[sflag:s12] =	ssyncadd.s32 $0xFFFFF000  }
0x2f: {  	_ =	swait.ge [sflag:s13], $0x1000  }
0x30: {  	[sflag:s13] =	ssyncset.done $0x0  }
0x31: {  	[sflag:s13] =	ssyncadd.s32 $0xFFFFF000  }
0x32: {  	[hbm4b:s14+s3] =	stream.linear.scatter [tilespmem:s9], [sflag:$0x3], $0x1000, $0x38;
	[tilespmem:$0x2100] =	vst v63  }
0x33: {  	_ =	swait.ge [sflag:s4], $0x1000  }
.Ltmp1:
0x34: {  	[sflag:s4] =	ssyncset.done $0x0;
	(pc) =	sbr.rel @p0 .LBB2_1-.Ltmp1, $4  }
0x35: {  	[sflag:s4] =	ssyncadd.s32 $0xFFFFF000  }
0x36: {  	[hbm4b:s15+s3] =	stream.linear.scatter [tilespmem:s11], [sflag:$0x3], $0x1000, $0x38;
	[tilespmem:$0x2100] =	vst v63  }
0x37: {  	_ =	swait.ge [sflag:s4], $0x1000  }
0x38: {  	[sflag:s4] =	ssyncset.done $0x0  }
.LBB2_2:
0x39: {  	[sflag:s4] =	ssyncadd.s32 $0xFFFFF000  }
0x3a: {  	_ =	sfence.sel $0x180000  }
0x3b: {  	[bflag:$0x0] =	sbarrier.arrive $0xFFFF  }
0x3c: {  	p0 =	sne.s32 s0, $0x0;
	_ =	strace $0x90000047  }
0x3d: {  	s0 =	sadd.s32 @!p0 $0x100000, s1;
	[bflag:$0x2] =	sbarrier.arrive $0xFFFF  }
0x3e: {  	[sflag:s0] =	ssyncadd.tile.s32 @!p0 $0x1;
	_ =	shalt  }
.Lfunc_end2:
_tile_overlayer_lowered:
.L_overlay_start_2:
0x3f: {  	(tag) =	ssettag $0x2  }
0x40: {  	s0 =	rddreg [dreg:$0x0];
	s2 =	stileid.u32  }
0x41: {  	s1 =	rddreg [dreg:$0x1];
	p0 =	sne.s32 s2, $0x0  }
0x42: {  	s3 =	rddreg [dreg:$0x2];
	[bflag:$0x3] =	sbarrier.arrive $0xFFFF;
	s2 =	simm.s32 @!p0 $0x1C03  }
0x43: {  	[timem:s3], [sflag:s2] =	dma.local @!p0 [hbm:s0], s1  }
0x44: {  	s0 =	simm.s32 @!p0 $0x3  }
0x45: {  	_ =	swait.ge @!p0 [sflag:s0], s1  }
0x46: {  	s1 =	ssub.s32 @!p0 $0x0, s1;
	[sflag:s0] =	ssyncset.done @!p0 $0x0  }
0x47: {  	[sflag:s0] =	ssyncadd.s32 @!p0 s1  }
0x48: {  	[bflag:$0x3] =	sbarrier.arrive $0xFFFF  }
0x49: {  	_ =	shalt  }

</sc_bundles>
